<compile_context>
chip_gen: v7x
topology: tpu7x:2x2x1
jax: 0.10.2.dev20260603
libtpu: 0.0.44.dev20260713+nightly
codegen_flags: <defaults>
</compile_context>

<pallas_src>
import functools

import jax
import jax.numpy as jnp
from jax import lax
from jax.experimental import pallas as pl
from jax.experimental.pallas import tpu as pltpu
from jax.experimental.pallas import tpu_sc as plsc

B = 16
T = 512
S = 256
F = 5
PRCCD = 3
E = 64

_CHK = 32


def _orders_body(closes_ref, orders_ref):
    big = jnp.int32(S)

    def scan_chunk(c, carry):
        fidx, fval = carry
        cl = closes_ref[pl.ds(c * _CHK, _CHK)]
        tv = lax.broadcasted_iota(jnp.int32, (_CHK, B, T), 0) + c * _CHK
        nz = cl != 0.0
        cf = jnp.min(jnp.where(nz, tv, big), axis=0)
        cv = jnp.sum(jnp.where(tv == cf[None], cl, 0.0), axis=0)
        take = cf < fidx
        return (jnp.where(take, cf, fidx), jnp.where(take, cv, fval))

    init = (jnp.full((B, T), big, jnp.int32), jnp.zeros((B, T), jnp.float32))
    _, starts = lax.fori_loop(0, S // _CHK, scan_chunk, init)
    last = closes_ref[S - 1]
    has = starts != 0.0
    perf = jnp.where(has, (last - starts) / jnp.where(has, starts, 1.0), 0.0)

    ii = lax.broadcasted_iota(jnp.int32, (T, T), 0)
    jj = lax.broadcasted_iota(jnp.int32, (T, T), 1)
    diag = ii == jj
    for b in range(B):
        pr = perf[b:b + 1, :]
        pc = jnp.sum(jnp.where(diag, pr, 0.0), axis=1, keepdims=True)
        beats = (pr > pc) | ((pr == pc) & (jj < ii))
        rank = jnp.sum(beats.astype(jnp.int32), axis=1, keepdims=True)
        row = jnp.sum(jnp.where(rank == jj, ii, 0), axis=0, keepdims=True)
        orders_ref[b:b + 1, :] = row


def _compute_orders(closes):
    return pl.pallas_call(
        _orders_body,
        grid=(1,),
        in_specs=[pl.BlockSpec((S, B, T), lambda i: (0, 0, 0))],
        out_specs=pl.BlockSpec((B, T), lambda i: (0, 0)),
        out_shape=jax.ShapeDtypeStruct((B, T), jnp.int32),
    )(closes)


_NC = 2
_NS = 16
_NW = _NC * _NS
_PLANES = S * F
_PPW = _PLANES // _NW
_KU = 4


def _permute_tile(src_v, dst_v, ord_v, nrows, obase_of_row):
    iota16 = lax.iota(jnp.int32, 16)
    nchunk = T // 16

    @plsc.parallel_loop(0, nrows * nchunk, unroll=8)
    def _(g):
        r = lax.shift_right_logical(g, 5)
        k = (g & (nchunk - 1)) * 16
        rvec = jnp.full((16,), r, jnp.int32)
        idx = ord_v[pl.ds(obase_of_row(r) + k, 16)]
        vals = plsc.load_gather(src_v, [rvec, idx])
        plsc.store_scatter(dst_v, [rvec, k + iota16], vals)


def _gather_body(x_hbm, a0_hbm, a1_hbm, ord_hbm,
                 y_hbm, b0_hbm, b1_hbm,
                 ord_v, xin_v, xout_v, ain_v, aout_v):
    wid = lax.axis_index("s") * _NC + lax.axis_index("c")
    pltpu.sync_copy(ord_hbm, ord_v)

    p0 = wid * _PPW

    def plane_body(i, _):
        p = p0 + i
        pltpu.sync_copy(x_hbm.at[p], xin_v)
        _permute_tile(xin_v, xout_v, ord_v, B, lambda r: r * T)
        pltpu.sync_copy(xout_v, y_hbm.at[p])
        return 0

    lax.fori_loop(0, _PPW, plane_body, 0)

    bb = wid // 2

    def do_a(src_hbm, dst_hbm):
        pltpu.sync_copy(src_hbm.at[bb], ain_v)
        _permute_tile(ain_v, aout_v, ord_v, E, lambda r: bb * T)
        pltpu.sync_copy(aout_v, dst_hbm.at[bb])

    @pl.when(wid % 2 == 0)
    def _():
        do_a(a0_hbm, b0_hbm)

    @pl.when(wid % 2 == 1)
    def _():
        do_a(a1_hbm, b1_hbm)


@functools.lru_cache(maxsize=1)
def _make_sc_gather():
    return pl.kernel(
        _gather_body,
        out_type=(
            jax.ShapeDtypeStruct((_PLANES, B, T), jnp.float32),
            jax.ShapeDtypeStruct((B, E, T), jnp.float32),
            jax.ShapeDtypeStruct((B, E, T), jnp.float32),
        ),
        mesh=plsc.VectorSubcoreMesh(core_axis_name="c", subcore_axis_name="s"),
        scratch_types=(
            pltpu.VMEM((B * T,), jnp.int32),
            pltpu.VMEM((B, T), jnp.float32),
            pltpu.VMEM((B, T), jnp.float32),
            pltpu.VMEM((E, T), jnp.float32),
            pltpu.VMEM((E, T), jnp.float32),
        ),
        compiler_params=pltpu.CompilerParams(needs_layout_passes=False),
    )


def kernel(in0, in1, ochlv):
    xt = jnp.transpose(ochlv, (2, 3, 0, 1))
    closes = xt[:, PRCCD]
    orders = _compute_orders(closes)
    ord_flat = orders.reshape(B * T)

    x = xt.reshape(_PLANES, B, T)
    a0 = jnp.transpose(in0, (0, 2, 1))
    a1 = jnp.transpose(in1, (0, 2, 1))
    y, b0, b1 = _make_sc_gather()(x, a0, a1, ord_flat)

    out2 = jnp.transpose(y.reshape(S, F, B, T), (2, 3, 0, 1))
    out0 = jnp.transpose(b0, (0, 2, 1))
    out1 = jnp.transpose(b1, (0, 2, 1))
    return ((out0, out1, out2), orders)

# --- scband reference (transcript-rebuilt; emitter-appended) ---
"""Pipeline reference for scband-arranger-12781822673023 (READ-ONLY COPY).

The authoritative reference and input builder live on the scoring server;
editing this copy changes nothing except your own understanding.
"""

import jax, jax.numpy as jnp
import numpy as np

# index of 'prccd' (close price) in the feature axis; constants.others['data_index'].get_loc('prccd')
PRCCD_IDX = 3


def setup_inputs(seed: int = 0) -> dict:
    key = jax.random.key(seed)
    k0, k1, k2 = jax.random.split(key, 3)
    in0 = jax.random.normal(k0, (16, 512, 64), dtype=jnp.float32)
    in1 = jax.random.normal(k1, (16, 512, 64), dtype=jnp.float32)
    ochlv = jax.random.uniform(k2, (16, 512, 256, 5), dtype=jnp.float32)
    return {"in0": in0, "in1": in1, "ochlv": ochlv}


def reference(in0, in1, ochlv):
    # closes: (B, T, S) -- close price series per (batch, ticker)
    closes = ochlv[..., PRCCD_IDX]
    cond = closes != 0.0
    # tf.ragged.boolean_mask(...).to_tensor(default_value=0)[..., 0] ==
    # first nonzero close per (batch, ticker), or 0 if the row is all zeros
    first_idx = jnp.argmax(cond, axis=-1)
    starts = jnp.take_along_axis(closes, first_idx[..., None], axis=-1)[..., 0]
    starts = jnp.where(jnp.any(cond, axis=-1), starts, jnp.zeros_like(starts))
    last_values = closes[..., -1]
    # tf.math.divide_no_nan: 0 where denominator is 0
    safe_starts = jnp.where(starts != 0.0, starts, jnp.ones_like(starts))
    performances = jnp.where(starts != 0.0, (last_values - starts) / safe_starts, jnp.zeros_like(starts))
    # tf.argsort(..., direction='DESCENDING') along the ticker axis
    orders = jnp.argsort(-performances, axis=-1)
    # tf.gather(elem, orders, batch_dims=1) for each tuple element
    out0 = jnp.take_along_axis(in0, orders[:, :, None], axis=1)
    out1 = jnp.take_along_axis(in1, orders[:, :, None], axis=1)
    out2 = jnp.take_along_axis(ochlv, orders[:, :, None, None], axis=1)
    return ((out0, out1, out2), orders)

if __name__ == "__main__":
    import jax
    _d = setup_inputs()
    print(jax.jit(kernel)(*tuple(_d.values())))

</pallas_src>

<mosaic_0001>
#map = affine_map<(d0, d1) -> (0, 0, 0)>
#map1 = affine_map<(d0, d1) -> (0)>
module attributes {stable_mosaic.version = 14 : i64} {
  func.func @_gather_body(%arg0: i32, %arg1: i32, %arg2: memref<1280x16x512xf32, #tpu.memory_space<hbm>>, %arg3: memref<16x64x512xf32, #tpu.memory_space<hbm>>, %arg4: memref<16x64x512xf32, #tpu.memory_space<hbm>>, %arg5: memref<8192xi32, #tpu.memory_space<hbm>>, %arg6: memref<1280x16x512xf32, #tpu.memory_space<hbm>>, %arg7: memref<16x64x512xf32, #tpu.memory_space<hbm>>, %arg8: memref<16x64x512xf32, #tpu.memory_space<hbm>>, %arg9: memref<8192xi32, #tpu.memory_space<vmem>>, %arg10: memref<16x512xf32, #tpu.memory_space<vmem>>, %arg11: memref<16x512xf32, #tpu.memory_space<vmem>>, %arg12: memref<64x512xf32, #tpu.memory_space<vmem>>, %arg13: memref<64x512xf32, #tpu.memory_space<vmem>>) attributes {dimension_semantics = [#tpu.dimension_semantics<core_parallel>, #tpu.dimension_semantics<subcore_parallel>], iteration_bounds = array<i64: 2, 16>, scalar_prefetch = 0 : i64, scratch_operands = 5 : i64, tpu.core_type = #tpu.core_type<sc_vector_subcore>, window_params = [{transform_indices = #map}, {transform_indices = #map}, {transform_indices = #map}, {transform_indices = #map1}, {transform_indices = #map}, {transform_indices = #map}, {transform_indices = #map}]} {
    %mul3A = arith.constant 2 : i32
    %mul3A_0 = arith.muli %arg1, %mul3A : i32
    %add3A = arith.addi %mul3A_0, %arg0 : i32
    "tpu.region"() ({
      %run_scoped3A = tpu.sem_alloc : memref<!tpu.dma_semaphore, #tpu.memory_space<semaphore_mem>>
      tpu.enqueue_dma source(%arg5 : memref<8192xi32, #tpu.memory_space<hbm>>) target(%arg9 : memref<8192xi32, #tpu.memory_space<vmem>>) target_semaphore(%run_scoped3A : memref<!tpu.dma_semaphore, #tpu.memory_space<semaphore_mem>>)
      tpu.wait_dma2 semaphore(%run_scoped3A : memref<!tpu.dma_semaphore, #tpu.memory_space<semaphore_mem>>) src(%arg5 : memref<8192xi32, #tpu.memory_space<hbm>>) dst(%arg9 : memref<8192xi32, #tpu.memory_space<vmem>>)
      tpu.yield
    }) : () -> ()
    %mul3A_1 = arith.constant 40 : i32
    %mul3A_2 = arith.muli %add3A, %mul3A_1 : i32
    %scan3A = arith.constant 0 : i32
    %scan3A_3 = arith.constant 0 : i32
    %scan3A_4 = arith.constant 40 : i32
    %scan3A_5 = arith.addi %scan3A_3, %scan3A_4 : i32
    %scan3A_6 = arith.constant 1 : i32
    %scan3A_7 = scf.for %scan3A_63 = %scan3A_3 to %scan3A_5 step %scan3A_6 iter_args(%scan3A_64 = %scan3A) -> (i32)  : i32 {
      %add3A_65 = arith.addi %mul3A_2, %scan3A_63 : i32
      "tpu.region"() ({
        %run_scoped3A = tpu.sem_alloc : memref<!tpu.dma_semaphore, #tpu.memory_space<semaphore_mem>>
        %dma_start3A = arith.constant 0 : i32
        %dma_start3A_69 = arith.constant 0 : i32
        %dma_start3A_70 = tpu.memref_slice %arg2[%add3A_65, %dma_start3A, %dma_start3A_69] : memref<1280x16x512xf32, #tpu.memory_space<hbm>> -> memref<1x16x512xf32, #tpu.memory_space<hbm>>
        %dma_start3A_71 = tpu.memref_squeeze %dma_start3A_70 : memref<1x16x512xf32, #tpu.memory_space<hbm>> -> memref<16x512xf32, #tpu.memory_space<hbm>>
        %dma_start3A_72 = arith.constant 0 : i32
        %dma_start3A_73 = arith.constant 0 : i32
        %dma_start3A_74 = tpu.memref_slice %arg2[%add3A_65, %dma_start3A_72, %dma_start3A_73] : memref<1280x16x512xf32, #tpu.memory_space<hbm>> -> memref<1x16x512xf32, #tpu.memory_space<hbm>>
        %dma_start3A_75 = tpu.memref_squeeze %dma_start3A_74 : memref<1x16x512xf32, #tpu.memory_space<hbm>> -> memref<16x512xf32, #tpu.memory_space<hbm>>
        tpu.enqueue_dma source(%dma_start3A_75 : memref<16x512xf32, #tpu.memory_space<hbm>>) target(%arg10 : memref<16x512xf32, #tpu.memory_space<vmem>>) target_semaphore(%run_scoped3A : memref<!tpu.dma_semaphore, #tpu.memory_space<semaphore_mem>>)
        %dma_wait3A = arith.constant 0 : i32
        %dma_wait3A_76 = arith.constant 0 : i32
        %dma_wait3A_77 = tpu.memref_slice %arg2[%add3A_65, %dma_wait3A, %dma_wait3A_76] : memref<1280x16x512xf32, #tpu.memory_space<hbm>> -> memref<1x16x512xf32, #tpu.memory_space<hbm>>
        %dma_wait3A_78 = tpu.memref_squeeze %dma_wait3A_77 : memref<1x16x512xf32, #tpu.memory_space<hbm>> -> memref<16x512xf32, #tpu.memory_space<hbm>>
        %dma_wait3A_79 = arith.constant 0 : i32
        %dma_wait3A_80 = arith.constant 0 : i32
        %dma_wait3A_81 = tpu.memref_slice %arg2[%add3A_65, %dma_wait3A_79, %dma_wait3A_80] : memref<1280x16x512xf32, #tpu.memory_space<hbm>> -> memref<1x16x512xf32, #tpu.memory_space<hbm>>
        %dma_wait3A_82 = tpu.memref_squeeze %dma_wait3A_81 : memref<1x16x512xf32, #tpu.memory_space<hbm>> -> memref<16x512xf32, #tpu.memory_space<hbm>>
        tpu.wait_dma2 semaphore(%run_scoped3A : memref<!tpu.dma_semaphore, #tpu.memory_space<semaphore_mem>>) src(%dma_wait3A_82 : memref<16x512xf32, #tpu.memory_space<hbm>>) dst(%arg10 : memref<16x512xf32, #tpu.memory_space<vmem>>)
        tpu.yield
      }) : () -> ()
      %iota3A = tpu.iota {dimensions = array<i32: 0>} : vector<16xi32>
      %parallel_loop3A = arith.constant 0 : i32
      %parallel_loop3A_66 = arith.constant 512 : i32
      %parallel_loop3A_67 = arith.constant 1 : i32
      scf.for %parallel_loop3A_69 = %parallel_loop3A to %parallel_loop3A_66 step %parallel_loop3A_67  : i32 {
        %parallel_loop3A_70 = arith.constant 5 : i32
        %parallel_loop3A_71 = arith.shrui %parallel_loop3A_69, %parallel_loop3A_70 : i32
        %parallel_loop3A_72 = arith.constant 31 : i32
        %parallel_loop3A_73 = arith.andi %parallel_loop3A_69, %parallel_loop3A_72 : i32
        %parallel_loop3A_74 = arith.constant 16 : i32
        %parallel_loop3A_75 = arith.muli %parallel_loop3A_73, %parallel_loop3A_74 : i32
        %parallel_loop3A_76 = vector.broadcast %parallel_loop3A_71 : i32 to vector<16xi32>
        %parallel_loop3A_77 = arith.constant 512 : i32
        %parallel_loop3A_78 = arith.muli %parallel_loop3A_71, %parallel_loop3A_77 : i32
        %parallel_loop3A_79 = arith.addi %parallel_loop3A_78, %parallel_loop3A_75 : i32
        %parallel_loop3A_80 = arith.index_cast %parallel_loop3A_79 : i32 to index
        %parallel_loop3A_81 = tpu.vector_load %arg9[%parallel_loop3A_80] {strides = array<i32>} : memref<8192xi32, #tpu.memory_space<vmem>>, vector<16xi32>,
        %parallel_loop3A_82 = tpu.vector_load_idx %arg10[%parallel_loop3A_76, %parallel_loop3A_81] : memref<16x512xf32, #tpu.memory_space<vmem>>[vector<16xi32>, vector<16xi32>], vector<16xf32>,
        %parallel_loop3A_83 = vector.broadcast %parallel_loop3A_75 : i32 to vector<16xi32>
        %parallel_loop3A_84 = arith.addi %parallel_loop3A_83, %iota3A : vector<16xi32>
        tpu.vector_store_idx %arg11[%parallel_loop3A_76, %parallel_loop3A_84], %parallel_loop3A_82 : memref<16x512xf32, #tpu.memory_space<vmem>>[vector<16xi32>, vector<16xi32>], vector<16xf32>,
      } {sc.loop_unroll_factor = 8 : i64, sc.parallel_access}
      "tpu.region"() ({
        %run_scoped3A = tpu.sem_alloc : memref<!tpu.dma_semaphore, #tpu.memory_space<semaphore_mem>>
        %dma_start3A = arith.constant 0 : i32
        %dma_start3A_69 = arith.constant 0 : i32
        %dma_start3A_70 = tpu.memref_slice %arg6[%add3A_65, %dma_start3A, %dma_start3A_69] : memref<1280x16x512xf32, #tpu.memory_space<hbm>> -> memref<1x16x512xf32, #tpu.memory_space<hbm>>
        %dma_start3A_71 = tpu.memref_squeeze %dma_start3A_70 : memref<1x16x512xf32, #tpu.memory_space<hbm>> -> memref<16x512xf32, #tpu.memory_space<hbm>>
        %dma_start3A_72 = arith.constant 0 : i32
        %dma_start3A_73 = arith.constant 0 : i32
        %dma_start3A_74 = tpu.memref_slice %arg6[%add3A_65, %dma_start3A_72, %dma_start3A_73] : memref<1280x16x512xf32, #tpu.memory_space<hbm>> -> memref<1x16x512xf32, #tpu.memory_space<hbm>>
        %dma_start3A_75 = tpu.memref_squeeze %dma_start3A_74 : memref<1x16x512xf32, #tpu.memory_space<hbm>> -> memref<16x512xf32, #tpu.memory_space<hbm>>
        tpu.enqueue_dma source(%arg11 : memref<16x512xf32, #tpu.memory_space<vmem>>) target(%dma_start3A_75 : memref<16x512xf32, #tpu.memory_space<hbm>>) target_semaphore(%run_scoped3A : memref<!tpu.dma_semaphore, #tpu.memory_space<semaphore_mem>>)
        %dma_wait3A = arith.constant 0 : i32
        %dma_wait3A_76 = arith.constant 0 : i32
        %dma_wait3A_77 = tpu.memref_slice %arg6[%add3A_65, %dma_wait3A, %dma_wait3A_76] : memref<1280x16x512xf32, #tpu.memory_space<hbm>> -> memref<1x16x512xf32, #tpu.memory_space<hbm>>
        %dma_wait3A_78 = tpu.memref_squeeze %dma_wait3A_77 : memref<1x16x512xf32, #tpu.memory_space<hbm>> -> memref<16x512xf32, #tpu.memory_space<hbm>>
        %dma_wait3A_79 = arith.constant 0 : i32
        %dma_wait3A_80 = arith.constant 0 : i32
        %dma_wait3A_81 = tpu.memref_slice %arg6[%add3A_65, %dma_wait3A_79, %dma_wait3A_80] : memref<1280x16x512xf32, #tpu.memory_space<hbm>> -> memref<1x16x512xf32, #tpu.memory_space<hbm>>
        %dma_wait3A_82 = tpu.memref_squeeze %dma_wait3A_81 : memref<1x16x512xf32, #tpu.memory_space<hbm>> -> memref<16x512xf32, #tpu.memory_space<hbm>>
        tpu.wait_dma2 semaphore(%run_scoped3A : memref<!tpu.dma_semaphore, #tpu.memory_space<semaphore_mem>>) src(%arg11 : memref<16x512xf32, #tpu.memory_space<vmem>>) dst(%dma_wait3A_82 : memref<16x512xf32, #tpu.memory_space<hbm>>)
        tpu.yield
      }) : () -> ()
      %scan3A_68 = arith.constant 0 : i32
      scf.yield %scan3A_68 : i32
    }
    %scan3A_8 = arith.constant 40 : i32
    %jit3A = arith.constant 2 : i32
    %div3A = arith.divsi %add3A, %jit3A : i32
    %sign3A = arith.constant 0 : i32
    %sign3A_9 = arith.cmpi sgt, %add3A, %sign3A : i32
    %sign3A_10 = arith.extui %sign3A_9 : i1 to i32
    %sign3A_11 = arith.constant 0 : i32
    %sign3A_12 = arith.cmpi slt, %add3A, %sign3A_11 : i32
    %sign3A_13 = arith.extui %sign3A_12 : i1 to i32
    %sign3A_14 = arith.subi %sign3A_10, %sign3A_13 : i32
    %sign3A_15 = arith.constant 0 : i32
    %sign3A_16 = arith.cmpi sgt, %jit3A, %sign3A_15 : i32
    %sign3A_17 = arith.extui %sign3A_16 : i1 to i32
    %sign3A_18 = arith.constant 0 : i32
    %sign3A_19 = arith.cmpi slt, %jit3A, %sign3A_18 : i32
    %sign3A_20 = arith.extui %sign3A_19 : i1 to i32
    %sign3A_21 = arith.subi %sign3A_17, %sign3A_20 : i32
    %ne3A = arith.cmpi ne, %sign3A_14, %sign3A_21 : i32
    %rem3A = arith.remsi %add3A, %jit3A : i32
    %ne3A_22 = arith.constant 0 : i32
    %ne3A_23 = arith.cmpi ne, %rem3A, %ne3A_22 : i32
    %and3A = arith.andi %ne3A, %ne3A_23 : i1
    %sub3A = arith.constant 1 : i32
    %sub3A_24 = arith.subi %div3A, %sub3A : i32
    %select_n3A = arith.select %and3A, %sub3A_24, %div3A : i32
    %jit3A_25 = arith.constant 2 : i32
    %eq3A = arith.constant 0 : i32
    %eq3A_26 = arith.cmpi eq, %jit3A_25, %eq3A : i32
    %jit3A_27 = arith.constant 1 : i32
    %select_n3A_28 = arith.select %eq3A_26, %jit3A_27, %jit3A_25 : i32
    %rem3A_29 = arith.remsi %add3A, %select_n3A_28 : i32
    %ne3A_30 = arith.constant 0 : i32
    %ne3A_31 = arith.cmpi ne, %rem3A_29, %ne3A_30 : i32
    %lt3A = arith.constant 0 : i32
    %lt3A_32 = arith.cmpi slt, %rem3A_29, %lt3A : i32
    %lt3A_33 = arith.constant 0 : i32
    %lt3A_34 = arith.cmpi slt, %select_n3A_28, %lt3A_33 : i32
    %ne3A_35 = arith.xori %lt3A_32, %lt3A_34 : i1
    %and3A_36 = arith.andi %ne3A_35, %ne3A_31 : i1
    %add3A_37 = arith.addi %rem3A_29, %select_n3A_28 : i32
    %select_n3A_38 = arith.select %and3A_36, %add3A_37, %rem3A_29 : i32
    %eq3A_39 = arith.constant 0 : i32
    %eq3A_40 = arith.cmpi eq, %select_n3A_38, %eq3A_39 : i32
    %convert_element_type3A = arith.extui %eq3A_40 : i1 to i32
    %cond3A = arith.constant 0 : i32
    %cond3A_41 = arith.cmpi ne, %convert_element_type3A, %cond3A : i32
    scf.if %cond3A_41 {
      "tpu.region"() ({
        %run_scoped3A = tpu.sem_alloc : memref<!tpu.dma_semaphore, #tpu.memory_space<semaphore_mem>>
        %dma_start3A = arith.constant 0 : i32
        %dma_start3A_65 = arith.constant 0 : i32
        %dma_start3A_66 = tpu.memref_slice %arg3[%select_n3A, %dma_start3A, %dma_start3A_65] : memref<16x64x512xf32, #tpu.memory_space<hbm>> -> memref<1x64x512xf32, #tpu.memory_space<hbm>>
        %dma_start3A_67 = tpu.memref_squeeze %dma_start3A_66 : memref<1x64x512xf32, #tpu.memory_space<hbm>> -> memref<64x512xf32, #tpu.memory_space<hbm>>
        %dma_start3A_68 = arith.constant 0 : i32
        %dma_start3A_69 = arith.constant 0 : i32
        %dma_start3A_70 = tpu.memref_slice %arg3[%select_n3A, %dma_start3A_68, %dma_start3A_69] : memref<16x64x512xf32, #tpu.memory_space<hbm>> -> memref<1x64x512xf32, #tpu.memory_space<hbm>>
        %dma_start3A_71 = tpu.memref_squeeze %dma_start3A_70 : memref<1x64x512xf32, #tpu.memory_space<hbm>> -> memref<64x512xf32, #tpu.memory_space<hbm>>
        tpu.enqueue_dma source(%dma_start3A_71 : memref<64x512xf32, #tpu.memory_space<hbm>>) target(%arg12 : memref<64x512xf32, #tpu.memory_space<vmem>>) target_semaphore(%run_scoped3A : memref<!tpu.dma_semaphore, #tpu.memory_space<semaphore_mem>>)
        %dma_wait3A = arith.constant 0 : i32
        %dma_wait3A_72 = arith.constant 0 : i32
        %dma_wait3A_73 = tpu.memref_slice %arg3[%select_n3A, %dma_wait3A, %dma_wait3A_72] : memref<16x64x512xf32, #tpu.memory_space<hbm>> -> memref<1x64x512xf32, #tpu.memory_space<hbm>>
        %dma_wait3A_74 = tpu.memref_squeeze %dma_wait3A_73 : memref<1x64x512xf32, #tpu.memory_space<hbm>> -> memref<64x512xf32, #tpu.memory_space<hbm>>
        %dma_wait3A_75 = arith.constant 0 : i32
        %dma_wait3A_76 = arith.constant 0 : i32
        %dma_wait3A_77 = tpu.memref_slice %arg3[%select_n3A, %dma_wait3A_75, %dma_wait3A_76] : memref<16x64x512xf32, #tpu.memory_space<hbm>> -> memref<1x64x512xf32, #tpu.memory_space<hbm>>
        %dma_wait3A_78 = tpu.memref_squeeze %dma_wait3A_77 : memref<1x64x512xf32, #tpu.memory_space<hbm>> -> memref<64x512xf32, #tpu.memory_space<hbm>>
        tpu.wait_dma2 semaphore(%run_scoped3A : memref<!tpu.dma_semaphore, #tpu.memory_space<semaphore_mem>>) src(%dma_wait3A_78 : memref<64x512xf32, #tpu.memory_space<hbm>>) dst(%arg12 : memref<64x512xf32, #tpu.memory_space<vmem>>)
        tpu.yield
      }) : () -> ()
      %iota3A = tpu.iota {dimensions = array<i32: 0>} : vector<16xi32>
      %parallel_loop3A = arith.constant 0 : i32
      %parallel_loop3A_63 = arith.constant 2048 : i32
      %parallel_loop3A_64 = arith.constant 1 : i32
      scf.for %parallel_loop3A_65 = %parallel_loop3A to %parallel_loop3A_63 step %parallel_loop3A_64  : i32 {
        %parallel_loop3A_66 = arith.constant 5 : i32
        %parallel_loop3A_67 = arith.shrui %parallel_loop3A_65, %parallel_loop3A_66 : i32
        %parallel_loop3A_68 = arith.constant 31 : i32
        %parallel_loop3A_69 = arith.andi %parallel_loop3A_65, %parallel_loop3A_68 : i32
        %parallel_loop3A_70 = arith.constant 16 : i32
        %parallel_loop3A_71 = arith.muli %parallel_loop3A_69, %parallel_loop3A_70 : i32
        %parallel_loop3A_72 = vector.broadcast %parallel_loop3A_67 : i32 to vector<16xi32>
        %parallel_loop3A_73 = arith.constant 512 : i32
        %parallel_loop3A_74 = arith.muli %select_n3A, %parallel_loop3A_73 : i32
        %parallel_loop3A_75 = arith.addi %parallel_loop3A_74, %parallel_loop3A_71 : i32
        %parallel_loop3A_76 = arith.index_cast %parallel_loop3A_75 : i32 to index
        %parallel_loop3A_77 = tpu.vector_load %arg9[%parallel_loop3A_76] {strides = array<i32>} : memref<8192xi32, #tpu.memory_space<vmem>>, vector<16xi32>,
        %parallel_loop3A_78 = tpu.vector_load_idx %arg12[%parallel_loop3A_72, %parallel_loop3A_77] : memref<64x512xf32, #tpu.memory_space<vmem>>[vector<16xi32>, vector<16xi32>], vector<16xf32>,
        %parallel_loop3A_79 = vector.broadcast %parallel_loop3A_71 : i32 to vector<16xi32>
        %parallel_loop3A_80 = arith.addi %parallel_loop3A_79, %iota3A : vector<16xi32>
        tpu.vector_store_idx %arg13[%parallel_loop3A_72, %parallel_loop3A_80], %parallel_loop3A_78 : memref<64x512xf32, #tpu.memory_space<vmem>>[vector<16xi32>, vector<16xi32>], vector<16xf32>,
      } {sc.loop_unroll_factor = 8 : i64, sc.parallel_access}
      "tpu.region"() ({
        %run_scoped3A = tpu.sem_alloc : memref<!tpu.dma_semaphore, #tpu.memory_space<semaphore_mem>>
        %dma_start3A = arith.constant 0 : i32
        %dma_start3A_65 = arith.constant 0 : i32
        %dma_start3A_66 = tpu.memref_slice %arg7[%select_n3A, %dma_start3A, %dma_start3A_65] : memref<16x64x512xf32, #tpu.memory_space<hbm>> -> memref<1x64x512xf32, #tpu.memory_space<hbm>>
        %dma_start3A_67 = tpu.memref_squeeze %dma_start3A_66 : memref<1x64x512xf32, #tpu.memory_space<hbm>> -> memref<64x512xf32, #tpu.memory_space<hbm>>
        %dma_start3A_68 = arith.constant 0 : i32
        %dma_start3A_69 = arith.constant 0 : i32
        %dma_start3A_70 = tpu.memref_slice %arg7[%select_n3A, %dma_start3A_68, %dma_start3A_69] : memref<16x64x512xf32, #tpu.memory_space<hbm>> -> memref<1x64x512xf32, #tpu.memory_space<hbm>>
        %dma_start3A_71 = tpu.memref_squeeze %dma_start3A_70 : memref<1x64x512xf32, #tpu.memory_space<hbm>> -> memref<64x512xf32, #tpu.memory_space<hbm>>
        tpu.enqueue_dma source(%arg13 : memref<64x512xf32, #tpu.memory_space<vmem>>) target(%dma_start3A_71 : memref<64x512xf32, #tpu.memory_space<hbm>>) target_semaphore(%run_scoped3A : memref<!tpu.dma_semaphore, #tpu.memory_space<semaphore_mem>>)
        %dma_wait3A = arith.constant 0 : i32
        %dma_wait3A_72 = arith.constant 0 : i32
        %dma_wait3A_73 = tpu.memref_slice %arg7[%select_n3A, %dma_wait3A, %dma_wait3A_72] : memref<16x64x512xf32, #tpu.memory_space<hbm>> -> memref<1x64x512xf32, #tpu.memory_space<hbm>>
        %dma_wait3A_74 = tpu.memref_squeeze %dma_wait3A_73 : memref<1x64x512xf32, #tpu.memory_space<hbm>> -> memref<64x512xf32, #tpu.memory_space<hbm>>
        %dma_wait3A_75 = arith.constant 0 : i32
        %dma_wait3A_76 = arith.constant 0 : i32
        %dma_wait3A_77 = tpu.memref_slice %arg7[%select_n3A, %dma_wait3A_75, %dma_wait3A_76] : memref<16x64x512xf32, #tpu.memory_space<hbm>> -> memref<1x64x512xf32, #tpu.memory_space<hbm>>
        %dma_wait3A_78 = tpu.memref_squeeze %dma_wait3A_77 : memref<1x64x512xf32, #tpu.memory_space<hbm>> -> memref<64x512xf32, #tpu.memory_space<hbm>>
        tpu.wait_dma2 semaphore(%run_scoped3A : memref<!tpu.dma_semaphore, #tpu.memory_space<semaphore_mem>>) src(%arg13 : memref<64x512xf32, #tpu.memory_space<vmem>>) dst(%dma_wait3A_78 : memref<64x512xf32, #tpu.memory_space<hbm>>)
        tpu.yield
      }) : () -> ()
    } else {
    }
    %jit3A_42 = arith.constant 2 : i32
    %eq3A_43 = arith.constant 0 : i32
    %eq3A_44 = arith.cmpi eq, %jit3A_42, %eq3A_43 : i32
    %jit3A_45 = arith.constant 1 : i32
    %select_n3A_46 = arith.select %eq3A_44, %jit3A_45, %jit3A_42 : i32
    %rem3A_47 = arith.remsi %add3A, %select_n3A_46 : i32
    %ne3A_48 = arith.constant 0 : i32
    %ne3A_49 = arith.cmpi ne, %rem3A_47, %ne3A_48 : i32
    %lt3A_50 = arith.constant 0 : i32
    %lt3A_51 = arith.cmpi slt, %rem3A_47, %lt3A_50 : i32
    %lt3A_52 = arith.constant 0 : i32
    %lt3A_53 = arith.cmpi slt, %select_n3A_46, %lt3A_52 : i32
    %ne3A_54 = arith.xori %lt3A_51, %lt3A_53 : i1
    %and3A_55 = arith.andi %ne3A_54, %ne3A_49 : i1
    %add3A_56 = arith.addi %rem3A_47, %select_n3A_46 : i32
    %select_n3A_57 = arith.select %and3A_55, %add3A_56, %rem3A_47 : i32
    %eq3A_58 = arith.constant 1 : i32
    %eq3A_59 = arith.cmpi eq, %select_n3A_57, %eq3A_58 : i32
    %convert_element_type3A_60 = arith.extui %eq3A_59 : i1 to i32
    %cond3A_61 = arith.constant 0 : i32
    %cond3A_62 = arith.cmpi ne, %convert_element_type3A_60, %cond3A_61 : i32
    scf.if %cond3A_62 {
      "tpu.region"() ({
        %run_scoped3A = tpu.sem_alloc : memref<!tpu.dma_semaphore, #tpu.memory_space<semaphore_mem>>
        %dma_start3A = arith.constant 0 : i32
        %dma_start3A_65 = arith.constant 0 : i32
        %dma_start3A_66 = tpu.memref_slice %arg4[%select_n3A, %dma_start3A, %dma_start3A_65] : memref<16x64x512xf32, #tpu.memory_space<hbm>> -> memref<1x64x512xf32, #tpu.memory_space<hbm>>
        %dma_start3A_67 = tpu.memref_squeeze %dma_start3A_66 : memref<1x64x512xf32, #tpu.memory_space<hbm>> -> memref<64x512xf32, #tpu.memory_space<hbm>>
        %dma_start3A_68 = arith.constant 0 : i32
        %dma_start3A_69 = arith.constant 0 : i32
        %dma_start3A_70 = tpu.memref_slice %arg4[%select_n3A, %dma_start3A_68, %dma_start3A_69] : memref<16x64x512xf32, #tpu.memory_space<hbm>> -> memref<1x64x512xf32, #tpu.memory_space<hbm>>
        %dma_start3A_71 = tpu.memref_squeeze %dma_start3A_70 : memref<1x64x512xf32, #tpu.memory_space<hbm>> -> memref<64x512xf32, #tpu.memory_space<hbm>>
        tpu.enqueue_dma source(%dma_start3A_71 : memref<64x512xf32, #tpu.memory_space<hbm>>) target(%arg12 : memref<64x512xf32, #tpu.memory_space<vmem>>) target_semaphore(%run_scoped3A : memref<!tpu.dma_semaphore, #tpu.memory_space<semaphore_mem>>)
        %dma_wait3A = arith.constant 0 : i32
        %dma_wait3A_72 = arith.constant 0 : i32
        %dma_wait3A_73 = tpu.memref_slice %arg4[%select_n3A, %dma_wait3A, %dma_wait3A_72] : memref<16x64x512xf32, #tpu.memory_space<hbm>> -> memref<1x64x512xf32, #tpu.memory_space<hbm>>
        %dma_wait3A_74 = tpu.memref_squeeze %dma_wait3A_73 : memref<1x64x512xf32, #tpu.memory_space<hbm>> -> memref<64x512xf32, #tpu.memory_space<hbm>>
        %dma_wait3A_75 = arith.constant 0 : i32
        %dma_wait3A_76 = arith.constant 0 : i32
        %dma_wait3A_77 = tpu.memref_slice %arg4[%select_n3A, %dma_wait3A_75, %dma_wait3A_76] : memref<16x64x512xf32, #tpu.memory_space<hbm>> -> memref<1x64x512xf32, #tpu.memory_space<hbm>>
        %dma_wait3A_78 = tpu.memref_squeeze %dma_wait3A_77 : memref<1x64x512xf32, #tpu.memory_space<hbm>> -> memref<64x512xf32, #tpu.memory_space<hbm>>
        tpu.wait_dma2 semaphore(%run_scoped3A : memref<!tpu.dma_semaphore, #tpu.memory_space<semaphore_mem>>) src(%dma_wait3A_78 : memref<64x512xf32, #tpu.memory_space<hbm>>) dst(%arg12 : memref<64x512xf32, #tpu.memory_space<vmem>>)
        tpu.yield
      }) : () -> ()
      %iota3A = tpu.iota {dimensions = array<i32: 0>} : vector<16xi32>
      %parallel_loop3A = arith.constant 0 : i32
      %parallel_loop3A_63 = arith.constant 2048 : i32
      %parallel_loop3A_64 = arith.constant 1 : i32
      scf.for %parallel_loop3A_65 = %parallel_loop3A to %parallel_loop3A_63 step %parallel_loop3A_64  : i32 {
        %parallel_loop3A_66 = arith.constant 5 : i32
        %parallel_loop3A_67 = arith.shrui %parallel_loop3A_65, %parallel_loop3A_66 : i32
        %parallel_loop3A_68 = arith.constant 31 : i32
        %parallel_loop3A_69 = arith.andi %parallel_loop3A_65, %parallel_loop3A_68 : i32
        %parallel_loop3A_70 = arith.constant 16 : i32
        %parallel_loop3A_71 = arith.muli %parallel_loop3A_69, %parallel_loop3A_70 : i32
        %parallel_loop3A_72 = vector.broadcast %parallel_loop3A_67 : i32 to vector<16xi32>
        %parallel_loop3A_73 = arith.constant 512 : i32
        %parallel_loop3A_74 = arith.muli %select_n3A, %parallel_loop3A_73 : i32
        %parallel_loop3A_75 = arith.addi %parallel_loop3A_74, %parallel_loop3A_71 : i32
        %parallel_loop3A_76 = arith.index_cast %parallel_loop3A_75 : i32 to index
        %parallel_loop3A_77 = tpu.vector_load %arg9[%parallel_loop3A_76] {strides = array<i32>} : memref<8192xi32, #tpu.memory_space<vmem>>, vector<16xi32>,
        %parallel_loop3A_78 = tpu.vector_load_idx %arg12[%parallel_loop3A_72, %parallel_loop3A_77] : memref<64x512xf32, #tpu.memory_space<vmem>>[vector<16xi32>, vector<16xi32>], vector<16xf32>,
        %parallel_loop3A_79 = vector.broadcast %parallel_loop3A_71 : i32 to vector<16xi32>
        %parallel_loop3A_80 = arith.addi %parallel_loop3A_79, %iota3A : vector<16xi32>
        tpu.vector_store_idx %arg13[%parallel_loop3A_72, %parallel_loop3A_80], %parallel_loop3A_78 : memref<64x512xf32, #tpu.memory_space<vmem>>[vector<16xi32>, vector<16xi32>], vector<16xf32>,
      } {sc.loop_unroll_factor = 8 : i64, sc.parallel_access}
      "tpu.region"() ({
        %run_scoped3A = tpu.sem_alloc : memref<!tpu.dma_semaphore, #tpu.memory_space<semaphore_mem>>
        %dma_start3A = arith.constant 0 : i32
        %dma_start3A_65 = arith.constant 0 : i32
        %dma_start3A_66 = tpu.memref_slice %arg8[%select_n3A, %dma_start3A, %dma_start3A_65] : memref<16x64x512xf32, #tpu.memory_space<hbm>> -> memref<1x64x512xf32, #tpu.memory_space<hbm>>
        %dma_start3A_67 = tpu.memref_squeeze %dma_start3A_66 : memref<1x64x512xf32, #tpu.memory_space<hbm>> -> memref<64x512xf32, #tpu.memory_space<hbm>>
        %dma_start3A_68 = arith.constant 0 : i32
        %dma_start3A_69 = arith.constant 0 : i32
        %dma_start3A_70 = tpu.memref_slice %arg8[%select_n3A, %dma_start3A_68, %dma_start3A_69] : memref<16x64x512xf32, #tpu.memory_space<hbm>> -> memref<1x64x512xf32, #tpu.memory_space<hbm>>
        %dma_start3A_71 = tpu.memref_squeeze %dma_start3A_70 : memref<1x64x512xf32, #tpu.memory_space<hbm>> -> memref<64x512xf32, #tpu.memory_space<hbm>>
        tpu.enqueue_dma source(%arg13 : memref<64x512xf32, #tpu.memory_space<vmem>>) target(%dma_start3A_71 : memref<64x512xf32, #tpu.memory_space<hbm>>) target_semaphore(%run_scoped3A : memref<!tpu.dma_semaphore, #tpu.memory_space<semaphore_mem>>)
        %dma_wait3A = arith.constant 0 : i32
        %dma_wait3A_72 = arith.constant 0 : i32
        %dma_wait3A_73 = tpu.memref_slice %arg8[%select_n3A, %dma_wait3A, %dma_wait3A_72] : memref<16x64x512xf32, #tpu.memory_space<hbm>> -> memref<1x64x512xf32, #tpu.memory_space<hbm>>
        %dma_wait3A_74 = tpu.memref_squeeze %dma_wait3A_73 : memref<1x64x512xf32, #tpu.memory_space<hbm>> -> memref<64x512xf32, #tpu.memory_space<hbm>>
        %dma_wait3A_75 = arith.constant 0 : i32
        %dma_wait3A_76 = arith.constant 0 : i32
        %dma_wait3A_77 = tpu.memref_slice %arg8[%select_n3A, %dma_wait3A_75, %dma_wait3A_76] : memref<16x64x512xf32, #tpu.memory_space<hbm>> -> memref<1x64x512xf32, #tpu.memory_space<hbm>>
        %dma_wait3A_78 = tpu.memref_squeeze %dma_wait3A_77 : memref<1x64x512xf32, #tpu.memory_space<hbm>> -> memref<64x512xf32, #tpu.memory_space<hbm>>
        tpu.wait_dma2 semaphore(%run_scoped3A : memref<!tpu.dma_semaphore, #tpu.memory_space<semaphore_mem>>) src(%arg13 : memref<64x512xf32, #tpu.memory_space<vmem>>) dst(%dma_wait3A_78 : memref<64x512xf32, #tpu.memory_space<hbm>>)
        tpu.yield
      }) : () -> ()
    } else {
    }
    return
  }
}

module attributes {stable_mosaic.version = 14 : i64} {
  func.func @_orders_body(%arg0: i32, %arg1: memref<256x16x512xf32, #tpu.memory_space<vmem>>, %arg2: memref<16x512xi32, #tpu.memory_space<vmem>>) attributes {dimension_semantics = [#tpu.dimension_semantics<arbitrary>], iteration_bounds = array<i64: 1>, scalar_prefetch = 0 : i64, scratch_operands = 0 : i64, tpu.core_type = #tpu.core_type<tc>, window_params = [{pipeline_mode = #tpu.pipeline_mode<synchronous>, transform_indices = @transform_0, window_bounds = array<i64: 256, 16, 512>}, {pipeline_mode = #tpu.pipeline_mode<synchronous>, transform_indices = @transform_1, window_bounds = array<i64: 16, 512>}]} {
    %broadcast_in_dim3A = arith.constant 256 : i32
    %broadcast_in_dim3A_0 = vector.broadcast %broadcast_in_dim3A : i32 to vector<16x512xi32>
    %broadcast_in_dim3A_1 = arith.constant 0.000000e+00 : f32
    %broadcast_in_dim3A_2 = vector.broadcast %broadcast_in_dim3A_1 : f32 to vector<16x512xf32>
    %scan3A = arith.constant 256 : i32
    %scan3A_3 = arith.constant 0 : i32
    %scan3A_4 = arith.constant 8 : i32
    %scan3A_5 = arith.addi %scan3A_3, %scan3A_4 : i32
    %scan3A_6 = arith.constant 1 : i32
    %scan3A_7:2 = scf.for %scan3A_540 = %scan3A_3 to %scan3A_5 step %scan3A_6 iter_args(%scan3A_541 = %broadcast_in_dim3A_0, %scan3A_542 = %broadcast_in_dim3A_2) -> (vector<16x512xi32>, vector<16x512xf32>)  : i32 {
      %mul3A = arith.constant 32 : i32
      %mul3A_543 = arith.muli %scan3A_540, %mul3A : i32
      %get3A_544 = arith.index_cast %mul3A_543 : i32 to index
      %get3A_545 = arith.constant 0 : index
      %get3A_546 = arith.constant 0 : index
      %get3A_547 = vector.load %arg1[%get3A_544, %get3A_545, %get3A_546] : memref<256x16x512xf32, #tpu.memory_space<vmem>>, vector<32x16x512xf32>
      %iota3A_548 = tpu.iota {dimensions = array<i32: 0>} : vector<32x16x512xi32>
      %mul3A_549 = arith.constant 32 : i32
      %mul3A_550 = arith.muli %scan3A_540, %mul3A_549 : i32
      %add3A = vector.broadcast %mul3A_550 : i32 to vector<32x16x512xi32>
      %add3A_551 = arith.addi %iota3A_548, %add3A : vector<32x16x512xi32>
      %ne3A_552 = arith.constant 0.000000e+00 : f32
      %ne3A_553 = vector.broadcast %ne3A_552 : f32 to vector<32x16x512xf32>
      %ne3A_554 = arith.cmpf one, %get3A_547, %ne3A_553 : vector<32x16x512xf32>
      %broadcast_in_dim3A_555 = vector.broadcast %scan3A : i32 to vector<32x16x512xi32>
      %select_n3A_556 = arith.select %ne3A_554, %add3A_551, %broadcast_in_dim3A_555 : vector<32x16x512xi1>, vector<32x16x512xi32>
      %reduce_min3A = arith.constant dense<2147483647> : vector<16x512xi32>
      %reduce_min3A_557 = vector.multi_reduction <minsi>, %select_n3A_556, %reduce_min3A [0] : vector<32x16x512xi32> to vector<16x512xi32>
      %broadcast_in_dim3A_558 = vector.shape_cast %reduce_min3A_557 : vector<16x512xi32> to vector<1x16x512xi32>
      %eq3A_559 = vector.broadcast %broadcast_in_dim3A_558 : vector<1x16x512xi32> to vector<32x16x512xi32>
      %eq3A_560 = arith.cmpi eq, %add3A_551, %eq3A_559 : vector<32x16x512xi32>
      %jit3A_561 = arith.constant 0.000000e+00 : f32
      %broadcast_in_dim3A_562 = vector.broadcast %jit3A_561 : f32 to vector<32x16x512xf32>
      %select_n3A_563 = arith.select %eq3A_560, %get3A_547, %broadcast_in_dim3A_562 : vector<32x16x512xi1>, vector<32x16x512xf32>
      %reduce_sum3A_564 = arith.constant dense<0.000000e+00> : vector<16x512xf32>
      %reduce_sum3A_565 = vector.multi_reduction <add>, %select_n3A_563, %reduce_sum3A_564 [0] : vector<32x16x512xf32> to vector<16x512xf32>
      %lt3A_566 = arith.cmpi slt, %reduce_min3A_557, %scan3A_541 : vector<16x512xi32>
      %select_n3A_567 = arith.select %lt3A_566, %reduce_min3A_557, %scan3A_541 : vector<16x512xi1>, vector<16x512xi32>
      %select_n3A_568 = arith.select %lt3A_566, %reduce_sum3A_565, %scan3A_542 : vector<16x512xi1>, vector<16x512xf32>
      scf.yield %select_n3A_567, %select_n3A_568 : vector<16x512xi32>, vector<16x512xf32>
    }
    %scan3A_8 = arith.constant 8 : i32
    %get3A = arith.constant 255 : index
    %get3A_9 = arith.constant 0 : index
    %get3A_10 = arith.constant 0 : index
    %get3A_11 = vector.load %arg1[%get3A, %get3A_9, %get3A_10] : memref<256x16x512xf32, #tpu.memory_space<vmem>>, vector<1x16x512xf32>
    %get3A_12 = vector.shape_cast %get3A_11 : vector<1x16x512xf32> to vector<16x512xf32>
    %ne3A = arith.constant 0.000000e+00 : f32
    %ne3A_13 = vector.broadcast %ne3A : f32 to vector<16x512xf32>
    %ne3A_14 = arith.cmpf one, %scan3A_7#1, %ne3A_13 : vector<16x512xf32>
    %sub3A = arith.subf %get3A_12, %scan3A_7#1 : vector<16x512xf32>
    %jit3A = arith.constant 1.000000e+00 : f32
    %broadcast_in_dim3A_15 = vector.broadcast %jit3A : f32 to vector<16x512xf32>
    %select_n3A = arith.select %ne3A_14, %scan3A_7#1, %broadcast_in_dim3A_15 : vector<16x512xi1>, vector<16x512xf32>
    %div3A = arith.divf %sub3A, %select_n3A : vector<16x512xf32>
    %jit3A_16 = arith.constant 0.000000e+00 : f32
    %broadcast_in_dim3A_17 = vector.broadcast %jit3A_16 : f32 to vector<16x512xf32>
    %select_n3A_18 = arith.select %ne3A_14, %div3A, %broadcast_in_dim3A_17 : vector<16x512xi1>, vector<16x512xf32>
    %iota3A = tpu.iota {dimensions = array<i32: 0>} : vector<512x512xi32>
    %iota3A_19 = tpu.iota {dimensions = array<i32: 1>} : vector<512x512xi32>
    %eq3A = arith.cmpi eq, %iota3A, %iota3A_19 : vector<512x512xi32>
    %slice3A = vector.extract_strided_slice %select_n3A_18 {offsets = [0, 0], sizes = [1, 512], strides = [1, 1]} : vector<16x512xf32> to vector<1x512xf32>
    %jit3A_20 = arith.constant 0.000000e+00 : f32
    %broadcast_in_dim3A_21 = vector.shape_cast %slice3A : vector<1x512xf32> to vector<1x512xf32>
    %broadcast_in_dim3A_22 = vector.broadcast %broadcast_in_dim3A_21 : vector<1x512xf32> to vector<512x512xf32>
    %broadcast_in_dim3A_23 = vector.broadcast %jit3A_20 : f32 to vector<512x512xf32>
    %select_n3A_24 = arith.select %eq3A, %broadcast_in_dim3A_22, %broadcast_in_dim3A_23 : vector<512x512xi1>, vector<512x512xf32>
    %reduce_sum3A = arith.constant dense<0.000000e+00> : vector<512xf32>
    %reduce_sum3A_25 = vector.multi_reduction <add>, %select_n3A_24, %reduce_sum3A [1] : vector<512x512xf32> to vector<512xf32>
    %broadcast_in_dim3A_26 = vector.shape_cast %reduce_sum3A_25 : vector<512xf32> to vector<512x1xf32>
    %gt3A = vector.broadcast %slice3A : vector<1x512xf32> to vector<512x512xf32>
    %gt3A_27 = vector.broadcast %broadcast_in_dim3A_26 : vector<512x1xf32> to vector<512x512xf32>
    %gt3A_28 = arith.cmpf ogt, %gt3A, %gt3A_27 : vector<512x512xf32>
    %eq3A_29 = vector.broadcast %slice3A : vector<1x512xf32> to vector<512x512xf32>
    %eq3A_30 = vector.broadcast %broadcast_in_dim3A_26 : vector<512x1xf32> to vector<512x512xf32>
    %eq3A_31 = arith.cmpf oeq, %eq3A_29, %eq3A_30 : vector<512x512xf32>
    %lt3A = arith.cmpi slt, %iota3A_19, %iota3A : vector<512x512xi32>
    %and3A = arith.andi %eq3A_31, %lt3A : vector<512x512xi1>
    %or3A = arith.ori %gt3A_28, %and3A : vector<512x512xi1>
    %convert_element_type3A = arith.extui %or3A : vector<512x512xi1> to vector<512x512xi32>
    %reduce_sum3A_32 = arith.constant dense<0> : vector<512xi32>
    %reduce_sum3A_33 = vector.multi_reduction <add>, %convert_element_type3A, %reduce_sum3A_32 [1] : vector<512x512xi32> to vector<512xi32>
    %broadcast_in_dim3A_34 = vector.shape_cast %reduce_sum3A_33 : vector<512xi32> to vector<512x1xi32>
    %eq3A_35 = vector.broadcast %broadcast_in_dim3A_34 : vector<512x1xi32> to vector<512x512xi32>
    %eq3A_36 = arith.cmpi eq, %eq3A_35, %iota3A_19 : vector<512x512xi32>
    %jit3A_37 = arith.constant 0 : i32
    %broadcast_in_dim3A_38 = vector.broadcast %jit3A_37 : i32 to vector<512x512xi32>
    %select_n3A_39 = arith.select %eq3A_36, %iota3A, %broadcast_in_dim3A_38 : vector<512x512xi1>, vector<512x512xi32>
    %reduce_sum3A_40 = arith.constant dense<0> : vector<512xi32>
    %reduce_sum3A_41 = vector.multi_reduction <add>, %select_n3A_39, %reduce_sum3A_40 [0] : vector<512x512xi32> to vector<512xi32>
    %broadcast_in_dim3A_42 = vector.shape_cast %reduce_sum3A_41 : vector<512xi32> to vector<1x512xi32>
    %swap3A = arith.constant 0 : index
    %swap3A_43 = arith.constant 0 : index
    %swap3A_44 = vector.load %arg2[%swap3A, %swap3A_43] : memref<16x512xi32, #tpu.memory_space<vmem>>, vector<1x512xi32>
    tpu.vector_store %arg2[%swap3A, %swap3A_43], %broadcast_in_dim3A_42 {strides = array<i32>} : memref<16x512xi32, #tpu.memory_space<vmem>>, vector<1x512xi32>,
    %slice3A_45 = vector.extract_strided_slice %select_n3A_18 {offsets = [1, 0], sizes = [1, 512], strides = [1, 1]} : vector<16x512xf32> to vector<1x512xf32>
    %jit3A_46 = arith.constant 0.000000e+00 : f32
    %broadcast_in_dim3A_47 = vector.shape_cast %slice3A_45 : vector<1x512xf32> to vector<1x512xf32>
    %broadcast_in_dim3A_48 = vector.broadcast %broadcast_in_dim3A_47 : vector<1x512xf32> to vector<512x512xf32>
    %broadcast_in_dim3A_49 = vector.broadcast %jit3A_46 : f32 to vector<512x512xf32>
    %select_n3A_50 = arith.select %eq3A, %broadcast_in_dim3A_48, %broadcast_in_dim3A_49 : vector<512x512xi1>, vector<512x512xf32>
    %reduce_sum3A_51 = arith.constant dense<0.000000e+00> : vector<512xf32>
    %reduce_sum3A_52 = vector.multi_reduction <add>, %select_n3A_50, %reduce_sum3A_51 [1] : vector<512x512xf32> to vector<512xf32>
    %broadcast_in_dim3A_53 = vector.shape_cast %reduce_sum3A_52 : vector<512xf32> to vector<512x1xf32>
    %gt3A_54 = vector.broadcast %slice3A_45 : vector<1x512xf32> to vector<512x512xf32>
    %gt3A_55 = vector.broadcast %broadcast_in_dim3A_53 : vector<512x1xf32> to vector<512x512xf32>
    %gt3A_56 = arith.cmpf ogt, %gt3A_54, %gt3A_55 : vector<512x512xf32>
    %eq3A_57 = vector.broadcast %slice3A_45 : vector<1x512xf32> to vector<512x512xf32>
    %eq3A_58 = vector.broadcast %broadcast_in_dim3A_53 : vector<512x1xf32> to vector<512x512xf32>
    %eq3A_59 = arith.cmpf oeq, %eq3A_57, %eq3A_58 : vector<512x512xf32>
    %lt3A_60 = arith.cmpi slt, %iota3A_19, %iota3A : vector<512x512xi32>
    %and3A_61 = arith.andi %eq3A_59, %lt3A_60 : vector<512x512xi1>
    %or3A_62 = arith.ori %gt3A_56, %and3A_61 : vector<512x512xi1>
    %convert_element_type3A_63 = arith.extui %or3A_62 : vector<512x512xi1> to vector<512x512xi32>
    %reduce_sum3A_64 = arith.constant dense<0> : vector<512xi32>
    %reduce_sum3A_65 = vector.multi_reduction <add>, %convert_element_type3A_63, %reduce_sum3A_64 [1] : vector<512x512xi32> to vector<512xi32>
    %broadcast_in_dim3A_66 = vector.shape_cast %reduce_sum3A_65 : vector<512xi32> to vector<512x1xi32>
    %eq3A_67 = vector.broadcast %broadcast_in_dim3A_66 : vector<512x1xi32> to vector<512x512xi32>
    %eq3A_68 = arith.cmpi eq, %eq3A_67, %iota3A_19 : vector<512x512xi32>
    %jit3A_69 = arith.constant 0 : i32
    %broadcast_in_dim3A_70 = vector.broadcast %jit3A_69 : i32 to vector<512x512xi32>
    %select_n3A_71 = arith.select %eq3A_68, %iota3A, %broadcast_in_dim3A_70 : vector<512x512xi1>, vector<512x512xi32>
    %reduce_sum3A_72 = arith.constant dense<0> : vector<512xi32>
    %reduce_sum3A_73 = vector.multi_reduction <add>, %select_n3A_71, %reduce_sum3A_72 [0] : vector<512x512xi32> to vector<512xi32>
    %broadcast_in_dim3A_74 = vector.shape_cast %reduce_sum3A_73 : vector<512xi32> to vector<1x512xi32>
    %swap3A_75 = arith.constant 1 : index
    %swap3A_76 = arith.constant 0 : index
    %swap3A_77 = vector.load %arg2[%swap3A_75, %swap3A_76] : memref<16x512xi32, #tpu.memory_space<vmem>>, vector<1x512xi32>
    tpu.vector_store %arg2[%swap3A_75, %swap3A_76], %broadcast_in_dim3A_74 {strides = array<i32>} : memref<16x512xi32, #tpu.memory_space<vmem>>, vector<1x512xi32>,
    %slice3A_78 = vector.extract_strided_slice %select_n3A_18 {offsets = [2, 0], sizes = [1, 512], strides = [1, 1]} : vector<16x512xf32> to vector<1x512xf32>
    %jit3A_79 = arith.constant 0.000000e+00 : f32
    %broadcast_in_dim3A_80 = vector.shape_cast %slice3A_78 : vector<1x512xf32> to vector<1x512xf32>
    %broadcast_in_dim3A_81 = vector.broadcast %broadcast_in_dim3A_80 : vector<1x512xf32> to vector<512x512xf32>
    %broadcast_in_dim3A_82 = vector.broadcast %jit3A_79 : f32 to vector<512x512xf32>
    %select_n3A_83 = arith.select %eq3A, %broadcast_in_dim3A_81, %broadcast_in_dim3A_82 : vector<512x512xi1>, vector<512x512xf32>
    %reduce_sum3A_84 = arith.constant dense<0.000000e+00> : vector<512xf32>
    %reduce_sum3A_85 = vector.multi_reduction <add>, %select_n3A_83, %reduce_sum3A_84 [1] : vector<512x512xf32> to vector<512xf32>
    %broadcast_in_dim3A_86 = vector.shape_cast %reduce_sum3A_85 : vector<512xf32> to vector<512x1xf32>
    %gt3A_87 = vector.broadcast %slice3A_78 : vector<1x512xf32> to vector<512x512xf32>
    %gt3A_88 = vector.broadcast %broadcast_in_dim3A_86 : vector<512x1xf32> to vector<512x512xf32>
    %gt3A_89 = arith.cmpf ogt, %gt3A_87, %gt3A_88 : vector<512x512xf32>
    %eq3A_90 = vector.broadcast %slice3A_78 : vector<1x512xf32> to vector<512x512xf32>
    %eq3A_91 = vector.broadcast %broadcast_in_dim3A_86 : vector<512x1xf32> to vector<512x512xf32>
    %eq3A_92 = arith.cmpf oeq, %eq3A_90, %eq3A_91 : vector<512x512xf32>
    %lt3A_93 = arith.cmpi slt, %iota3A_19, %iota3A : vector<512x512xi32>
    %and3A_94 = arith.andi %eq3A_92, %lt3A_93 : vector<512x512xi1>
    %or3A_95 = arith.ori %gt3A_89, %and3A_94 : vector<512x512xi1>
    %convert_element_type3A_96 = arith.extui %or3A_95 : vector<512x512xi1> to vector<512x512xi32>
    %reduce_sum3A_97 = arith.constant dense<0> : vector<512xi32>
    %reduce_sum3A_98 = vector.multi_reduction <add>, %convert_element_type3A_96, %reduce_sum3A_97 [1] : vector<512x512xi32> to vector<512xi32>
    %broadcast_in_dim3A_99 = vector.shape_cast %reduce_sum3A_98 : vector<512xi32> to vector<512x1xi32>
    %eq3A_100 = vector.broadcast %broadcast_in_dim3A_99 : vector<512x1xi32> to vector<512x512xi32>
    %eq3A_101 = arith.cmpi eq, %eq3A_100, %iota3A_19 : vector<512x512xi32>
    %jit3A_102 = arith.constant 0 : i32
    %broadcast_in_dim3A_103 = vector.broadcast %jit3A_102 : i32 to vector<512x512xi32>
    %select_n3A_104 = arith.select %eq3A_101, %iota3A, %broadcast_in_dim3A_103 : vector<512x512xi1>, vector<512x512xi32>
    %reduce_sum3A_105 = arith.constant dense<0> : vector<512xi32>
    %reduce_sum3A_106 = vector.multi_reduction <add>, %select_n3A_104, %reduce_sum3A_105 [0] : vector<512x512xi32> to vector<512xi32>
    %broadcast_in_dim3A_107 = vector.shape_cast %reduce_sum3A_106 : vector<512xi32> to vector<1x512xi32>
    %swap3A_108 = arith.constant 2 : index
    %swap3A_109 = arith.constant 0 : index
    %swap3A_110 = vector.load %arg2[%swap3A_108, %swap3A_109] : memref<16x512xi32, #tpu.memory_space<vmem>>, vector<1x512xi32>
    tpu.vector_store %arg2[%swap3A_108, %swap3A_109], %broadcast_in_dim3A_107 {strides = array<i32>} : memref<16x512xi32, #tpu.memory_space<vmem>>, vector<1x512xi32>,
    %slice3A_111 = vector.extract_strided_slice %select_n3A_18 {offsets = [3, 0], sizes = [1, 512], strides = [1, 1]} : vector<16x512xf32> to vector<1x512xf32>
    %jit3A_112 = arith.constant 0.000000e+00 : f32
    %broadcast_in_dim3A_113 = vector.shape_cast %slice3A_111 : vector<1x512xf32> to vector<1x512xf32>
    %broadcast_in_dim3A_114 = vector.broadcast %broadcast_in_dim3A_113 : vector<1x512xf32> to vector<512x512xf32>
    %broadcast_in_dim3A_115 = vector.broadcast %jit3A_112 : f32 to vector<512x512xf32>
    %select_n3A_116 = arith.select %eq3A, %broadcast_in_dim3A_114, %broadcast_in_dim3A_115 : vector<512x512xi1>, vector<512x512xf32>
    %reduce_sum3A_117 = arith.constant dense<0.000000e+00> : vector<512xf32>
    %reduce_sum3A_118 = vector.multi_reduction <add>, %select_n3A_116, %reduce_sum3A_117 [1] : vector<512x512xf32> to vector<512xf32>
    %broadcast_in_dim3A_119 = vector.shape_cast %reduce_sum3A_118 : vector<512xf32> to vector<512x1xf32>
    %gt3A_120 = vector.broadcast %slice3A_111 : vector<1x512xf32> to vector<512x512xf32>
    %gt3A_121 = vector.broadcast %broadcast_in_dim3A_119 : vector<512x1xf32> to vector<512x512xf32>
    %gt3A_122 = arith.cmpf ogt, %gt3A_120, %gt3A_121 : vector<512x512xf32>
    %eq3A_123 = vector.broadcast %slice3A_111 : vector<1x512xf32> to vector<512x512xf32>
    %eq3A_124 = vector.broadcast %broadcast_in_dim3A_119 : vector<512x1xf32> to vector<512x512xf32>
    %eq3A_125 = arith.cmpf oeq, %eq3A_123, %eq3A_124 : vector<512x512xf32>
    %lt3A_126 = arith.cmpi slt, %iota3A_19, %iota3A : vector<512x512xi32>
    %and3A_127 = arith.andi %eq3A_125, %lt3A_126 : vector<512x512xi1>
    %or3A_128 = arith.ori %gt3A_122, %and3A_127 : vector<512x512xi1>
    %convert_element_type3A_129 = arith.extui %or3A_128 : vector<512x512xi1> to vector<512x512xi32>
    %reduce_sum3A_130 = arith.constant dense<0> : vector<512xi32>
    %reduce_sum3A_131 = vector.multi_reduction <add>, %convert_element_type3A_129, %reduce_sum3A_130 [1] : vector<512x512xi32> to vector<512xi32>
    %broadcast_in_dim3A_132 = vector.shape_cast %reduce_sum3A_131 : vector<512xi32> to vector<512x1xi32>
    %eq3A_133 = vector.broadcast %broadcast_in_dim3A_132 : vector<512x1xi32> to vector<512x512xi32>
    %eq3A_134 = arith.cmpi eq, %eq3A_133, %iota3A_19 : vector<512x512xi32>
    %jit3A_135 = arith.constant 0 : i32
    %broadcast_in_dim3A_136 = vector.broadcast %jit3A_135 : i32 to vector<512x512xi32>
    %select_n3A_137 = arith.select %eq3A_134, %iota3A, %broadcast_in_dim3A_136 : vector<512x512xi1>, vector<512x512xi32>
    %reduce_sum3A_138 = arith.constant dense<0> : vector<512xi32>
    %reduce_sum3A_139 = vector.multi_reduction <add>, %select_n3A_137, %reduce_sum3A_138 [0] : vector<512x512xi32> to vector<512xi32>
    %broadcast_in_dim3A_140 = vector.shape_cast %reduce_sum3A_139 : vector<512xi32> to vector<1x512xi32>
    %swap3A_141 = arith.constant 3 : index
    %swap3A_142 = arith.constant 0 : index
    %swap3A_143 = vector.load %arg2[%swap3A_141, %swap3A_142] : memref<16x512xi32, #tpu.memory_space<vmem>>, vector<1x512xi32>
    tpu.vector_store %arg2[%swap3A_141, %swap3A_142], %broadcast_in_dim3A_140 {strides = array<i32>} : memref<16x512xi32, #tpu.memory_space<vmem>>, vector<1x512xi32>,
    %slice3A_144 = vector.extract_strided_slice %select_n3A_18 {offsets = [4, 0], sizes = [1, 512], strides = [1, 1]} : vector<16x512xf32> to vector<1x512xf32>
    %jit3A_145 = arith.constant 0.000000e+00 : f32
    %broadcast_in_dim3A_146 = vector.shape_cast %slice3A_144 : vector<1x512xf32> to vector<1x512xf32>
    %broadcast_in_dim3A_147 = vector.broadcast %broadcast_in_dim3A_146 : vector<1x512xf32> to vector<512x512xf32>
    %broadcast_in_dim3A_148 = vector.broadcast %jit3A_145 : f32 to vector<512x512xf32>
    %select_n3A_149 = arith.select %eq3A, %broadcast_in_dim3A_147, %broadcast_in_dim3A_148 : vector<512x512xi1>, vector<512x512xf32>
    %reduce_sum3A_150 = arith.constant dense<0.000000e+00> : vector<512xf32>
    %reduce_sum3A_151 = vector.multi_reduction <add>, %select_n3A_149, %reduce_sum3A_150 [1] : vector<512x512xf32> to vector<512xf32>
    %broadcast_in_dim3A_152 = vector.shape_cast %reduce_sum3A_151 : vector<512xf32> to vector<512x1xf32>
    %gt3A_153 = vector.broadcast %slice3A_144 : vector<1x512xf32> to vector<512x512xf32>
    %gt3A_154 = vector.broadcast %broadcast_in_dim3A_152 : vector<512x1xf32> to vector<512x512xf32>
    %gt3A_155 = arith.cmpf ogt, %gt3A_153, %gt3A_154 : vector<512x512xf32>
    %eq3A_156 = vector.broadcast %slice3A_144 : vector<1x512xf32> to vector<512x512xf32>
    %eq3A_157 = vector.broadcast %broadcast_in_dim3A_152 : vector<512x1xf32> to vector<512x512xf32>
    %eq3A_158 = arith.cmpf oeq, %eq3A_156, %eq3A_157 : vector<512x512xf32>
    %lt3A_159 = arith.cmpi slt, %iota3A_19, %iota3A : vector<512x512xi32>
    %and3A_160 = arith.andi %eq3A_158, %lt3A_159 : vector<512x512xi1>
    %or3A_161 = arith.ori %gt3A_155, %and3A_160 : vector<512x512xi1>
    %convert_element_type3A_162 = arith.extui %or3A_161 : vector<512x512xi1> to vector<512x512xi32>
    %reduce_sum3A_163 = arith.constant dense<0> : vector<512xi32>
    %reduce_sum3A_164 = vector.multi_reduction <add>, %convert_element_type3A_162, %reduce_sum3A_163 [1] : vector<512x512xi32> to vector<512xi32>
    %broadcast_in_dim3A_165 = vector.shape_cast %reduce_sum3A_164 : vector<512xi32> to vector<512x1xi32>
    %eq3A_166 = vector.broadcast %broadcast_in_dim3A_165 : vector<512x1xi32> to vector<512x512xi32>
    %eq3A_167 = arith.cmpi eq, %eq3A_166, %iota3A_19 : vector<512x512xi32>
    %jit3A_168 = arith.constant 0 : i32
    %broadcast_in_dim3A_169 = vector.broadcast %jit3A_168 : i32 to vector<512x512xi32>
    %select_n3A_170 = arith.select %eq3A_167, %iota3A, %broadcast_in_dim3A_169 : vector<512x512xi1>, vector<512x512xi32>
    %reduce_sum3A_171 = arith.constant dense<0> : vector<512xi32>
    %reduce_sum3A_172 = vector.multi_reduction <add>, %select_n3A_170, %reduce_sum3A_171 [0] : vector<512x512xi32> to vector<512xi32>
    %broadcast_in_dim3A_173 = vector.shape_cast %reduce_sum3A_172 : vector<512xi32> to vector<1x512xi32>
    %swap3A_174 = arith.constant 4 : index
    %swap3A_175 = arith.constant 0 : index
    %swap3A_176 = vector.load %arg2[%swap3A_174, %swap3A_175] : memref<16x512xi32, #tpu.memory_space<vmem>>, vector<1x512xi32>
    tpu.vector_store %arg2[%swap3A_174, %swap3A_175], %broadcast_in_dim3A_173 {strides = array<i32>} : memref<16x512xi32, #tpu.memory_space<vmem>>, vector<1x512xi32>,
    %slice3A_177 = vector.extract_strided_slice %select_n3A_18 {offsets = [5, 0], sizes = [1, 512], strides = [1, 1]} : vector<16x512xf32> to vector<1x512xf32>
    %jit3A_178 = arith.constant 0.000000e+00 : f32
    %broadcast_in_dim3A_179 = vector.shape_cast %slice3A_177 : vector<1x512xf32> to vector<1x512xf32>
    %broadcast_in_dim3A_180 = vector.broadcast %broadcast_in_dim3A_179 : vector<1x512xf32> to vector<512x512xf32>
    %broadcast_in_dim3A_181 = vector.broadcast %jit3A_178 : f32 to vector<512x512xf32>
    %select_n3A_182 = arith.select %eq3A, %broadcast_in_dim3A_180, %broadcast_in_dim3A_181 : vector<512x512xi1>, vector<512x512xf32>
    %reduce_sum3A_183 = arith.constant dense<0.000000e+00> : vector<512xf32>
    %reduce_sum3A_184 = vector.multi_reduction <add>, %select_n3A_182, %reduce_sum3A_183 [1] : vector<512x512xf32> to vector<512xf32>
    %broadcast_in_dim3A_185 = vector.shape_cast %reduce_sum3A_184 : vector<512xf32> to vector<512x1xf32>
    %gt3A_186 = vector.broadcast %slice3A_177 : vector<1x512xf32> to vector<512x512xf32>
    %gt3A_187 = vector.broadcast %broadcast_in_dim3A_185 : vector<512x1xf32> to vector<512x512xf32>
    %gt3A_188 = arith.cmpf ogt, %gt3A_186, %gt3A_187 : vector<512x512xf32>
    %eq3A_189 = vector.broadcast %slice3A_177 : vector<1x512xf32> to vector<512x512xf32>
    %eq3A_190 = vector.broadcast %broadcast_in_dim3A_185 : vector<512x1xf32> to vector<512x512xf32>
    %eq3A_191 = arith.cmpf oeq, %eq3A_189, %eq3A_190 : vector<512x512xf32>
    %lt3A_192 = arith.cmpi slt, %iota3A_19, %iota3A : vector<512x512xi32>
    %and3A_193 = arith.andi %eq3A_191, %lt3A_192 : vector<512x512xi1>
    %or3A_194 = arith.ori %gt3A_188, %and3A_193 : vector<512x512xi1>
    %convert_element_type3A_195 = arith.extui %or3A_194 : vector<512x512xi1> to vector<512x512xi32>
    %reduce_sum3A_196 = arith.constant dense<0> : vector<512xi32>
    %reduce_sum3A_197 = vector.multi_reduction <add>, %convert_element_type3A_195, %reduce_sum3A_196 [1] : vector<512x512xi32> to vector<512xi32>
    %broadcast_in_dim3A_198 = vector.shape_cast %reduce_sum3A_197 : vector<512xi32> to vector<512x1xi32>
    %eq3A_199 = vector.broadcast %broadcast_in_dim3A_198 : vector<512x1xi32> to vector<512x512xi32>
    %eq3A_200 = arith.cmpi eq, %eq3A_199, %iota3A_19 : vector<512x512xi32>
    %jit3A_201 = arith.constant 0 : i32
    %broadcast_in_dim3A_202 = vector.broadcast %jit3A_201 : i32 to vector<512x512xi32>
    %select_n3A_203 = arith.select %eq3A_200, %iota3A, %broadcast_in_dim3A_202 : vector<512x512xi1>, vector<512x512xi32>
    %reduce_sum3A_204 = arith.constant dense<0> : vector<512xi32>
    %reduce_sum3A_205 = vector.multi_reduction <add>, %select_n3A_203, %reduce_sum3A_204 [0] : vector<512x512xi32> to vector<512xi32>
    %broadcast_in_dim3A_206 = vector.shape_cast %reduce_sum3A_205 : vector<512xi32> to vector<1x512xi32>
    %swap3A_207 = arith.constant 5 : index
    %swap3A_208 = arith.constant 0 : index
    %swap3A_209 = vector.load %arg2[%swap3A_207, %swap3A_208] : memref<16x512xi32, #tpu.memory_space<vmem>>, vector<1x512xi32>
    tpu.vector_store %arg2[%swap3A_207, %swap3A_208], %broadcast_in_dim3A_206 {strides = array<i32>} : memref<16x512xi32, #tpu.memory_space<vmem>>, vector<1x512xi32>,
    %slice3A_210 = vector.extract_strided_slice %select_n3A_18 {offsets = [6, 0], sizes = [1, 512], strides = [1, 1]} : vector<16x512xf32> to vector<1x512xf32>
    %jit3A_211 = arith.constant 0.000000e+00 : f32
    %broadcast_in_dim3A_212 = vector.shape_cast %slice3A_210 : vector<1x512xf32> to vector<1x512xf32>
    %broadcast_in_dim3A_213 = vector.broadcast %broadcast_in_dim3A_212 : vector<1x512xf32> to vector<512x512xf32>
    %broadcast_in_dim3A_214 = vector.broadcast %jit3A_211 : f32 to vector<512x512xf32>
    %select_n3A_215 = arith.select %eq3A, %broadcast_in_dim3A_213, %broadcast_in_dim3A_214 : vector<512x512xi1>, vector<512x512xf32>
    %reduce_sum3A_216 = arith.constant dense<0.000000e+00> : vector<512xf32>
    %reduce_sum3A_217 = vector.multi_reduction <add>, %select_n3A_215, %reduce_sum3A_216 [1] : vector<512x512xf32> to vector<512xf32>
    %broadcast_in_dim3A_218 = vector.shape_cast %reduce_sum3A_217 : vector<512xf32> to vector<512x1xf32>
    %gt3A_219 = vector.broadcast %slice3A_210 : vector<1x512xf32> to vector<512x512xf32>
    %gt3A_220 = vector.broadcast %broadcast_in_dim3A_218 : vector<512x1xf32> to vector<512x512xf32>
    %gt3A_221 = arith.cmpf ogt, %gt3A_219, %gt3A_220 : vector<512x512xf32>
    %eq3A_222 = vector.broadcast %slice3A_210 : vector<1x512xf32> to vector<512x512xf32>
    %eq3A_223 = vector.broadcast %broadcast_in_dim3A_218 : vector<512x1xf32> to vector<512x512xf32>
    %eq3A_224 = arith.cmpf oeq, %eq3A_222, %eq3A_223 : vector<512x512xf32>
    %lt3A_225 = arith.cmpi slt, %iota3A_19, %iota3A : vector<512x512xi32>
    %and3A_226 = arith.andi %eq3A_224, %lt3A_225 : vector<512x512xi1>
    %or3A_227 = arith.ori %gt3A_221, %and3A_226 : vector<512x512xi1>
    %convert_element_type3A_228 = arith.extui %or3A_227 : vector<512x512xi1> to vector<512x512xi32>
    %reduce_sum3A_229 = arith.constant dense<0> : vector<512xi32>
    %reduce_sum3A_230 = vector.multi_reduction <add>, %convert_element_type3A_228, %reduce_sum3A_229 [1] : vector<512x512xi32> to vector<512xi32>
    %broadcast_in_dim3A_231 = vector.shape_cast %reduce_sum3A_230 : vector<512xi32> to vector<512x1xi32>
    %eq3A_232 = vector.broadcast %broadcast_in_dim3A_231 : vector<512x1xi32> to vector<512x512xi32>
    %eq3A_233 = arith.cmpi eq, %eq3A_232, %iota3A_19 : vector<512x512xi32>
    %jit3A_234 = arith.constant 0 : i32
    %broadcast_in_dim3A_235 = vector.broadcast %jit3A_234 : i32 to vector<512x512xi32>
    %select_n3A_236 = arith.select %eq3A_233, %iota3A, %broadcast_in_dim3A_235 : vector<512x512xi1>, vector<512x512xi32>
    %reduce_sum3A_237 = arith.constant dense<0> : vector<512xi32>
    %reduce_sum3A_238 = vector.multi_reduction <add>, %select_n3A_236, %reduce_sum3A_237 [0] : vector<512x512xi32> to vector<512xi32>
    %broadcast_in_dim3A_239 = vector.shape_cast %reduce_sum3A_238 : vector<512xi32> to vector<1x512xi32>
    %swap3A_240 = arith.constant 6 : index
    %swap3A_241 = arith.constant 0 : index
    %swap3A_242 = vector.load %arg2[%swap3A_240, %swap3A_241] : memref<16x512xi32, #tpu.memory_space<vmem>>, vector<1x512xi32>
    tpu.vector_store %arg2[%swap3A_240, %swap3A_241], %broadcast_in_dim3A_239 {strides = array<i32>} : memref<16x512xi32, #tpu.memory_space<vmem>>, vector<1x512xi32>,
    %slice3A_243 = vector.extract_strided_slice %select_n3A_18 {offsets = [7, 0], sizes = [1, 512], strides = [1, 1]} : vector<16x512xf32> to vector<1x512xf32>
    %jit3A_244 = arith.constant 0.000000e+00 : f32
    %broadcast_in_dim3A_245 = vector.shape_cast %slice3A_243 : vector<1x512xf32> to vector<1x512xf32>
    %broadcast_in_dim3A_246 = vector.broadcast %broadcast_in_dim3A_245 : vector<1x512xf32> to vector<512x512xf32>
    %broadcast_in_dim3A_247 = vector.broadcast %jit3A_244 : f32 to vector<512x512xf32>
    %select_n3A_248 = arith.select %eq3A, %broadcast_in_dim3A_246, %broadcast_in_dim3A_247 : vector<512x512xi1>, vector<512x512xf32>
    %reduce_sum3A_249 = arith.constant dense<0.000000e+00> : vector<512xf32>
    %reduce_sum3A_250 = vector.multi_reduction <add>, %select_n3A_248, %reduce_sum3A_249 [1] : vector<512x512xf32> to vector<512xf32>
    %broadcast_in_dim3A_251 = vector.shape_cast %reduce_sum3A_250 : vector<512xf32> to vector<512x1xf32>
    %gt3A_252 = vector.broadcast %slice3A_243 : vector<1x512xf32> to vector<512x512xf32>
    %gt3A_253 = vector.broadcast %broadcast_in_dim3A_251 : vector<512x1xf32> to vector<512x512xf32>
    %gt3A_254 = arith.cmpf ogt, %gt3A_252, %gt3A_253 : vector<512x512xf32>
    %eq3A_255 = vector.broadcast %slice3A_243 : vector<1x512xf32> to vector<512x512xf32>
    %eq3A_256 = vector.broadcast %broadcast_in_dim3A_251 : vector<512x1xf32> to vector<512x512xf32>
    %eq3A_257 = arith.cmpf oeq, %eq3A_255, %eq3A_256 : vector<512x512xf32>
    %lt3A_258 = arith.cmpi slt, %iota3A_19, %iota3A : vector<512x512xi32>
    %and3A_259 = arith.andi %eq3A_257, %lt3A_258 : vector<512x512xi1>
    %or3A_260 = arith.ori %gt3A_254, %and3A_259 : vector<512x512xi1>
    %convert_element_type3A_261 = arith.extui %or3A_260 : vector<512x512xi1> to vector<512x512xi32>
    %reduce_sum3A_262 = arith.constant dense<0> : vector<512xi32>
    %reduce_sum3A_263 = vector.multi_reduction <add>, %convert_element_type3A_261, %reduce_sum3A_262 [1] : vector<512x512xi32> to vector<512xi32>
    %broadcast_in_dim3A_264 = vector.shape_cast %reduce_sum3A_263 : vector<512xi32> to vector<512x1xi32>
    %eq3A_265 = vector.broadcast %broadcast_in_dim3A_264 : vector<512x1xi32> to vector<512x512xi32>
    %eq3A_266 = arith.cmpi eq, %eq3A_265, %iota3A_19 : vector<512x512xi32>
    %jit3A_267 = arith.constant 0 : i32
    %broadcast_in_dim3A_268 = vector.broadcast %jit3A_267 : i32 to vector<512x512xi32>
    %select_n3A_269 = arith.select %eq3A_266, %iota3A, %broadcast_in_dim3A_268 : vector<512x512xi1>, vector<512x512xi32>
    %reduce_sum3A_270 = arith.constant dense<0> : vector<512xi32>
    %reduce_sum3A_271 = vector.multi_reduction <add>, %select_n3A_269, %reduce_sum3A_270 [0] : vector<512x512xi32> to vector<512xi32>
    %broadcast_in_dim3A_272 = vector.shape_cast %reduce_sum3A_271 : vector<512xi32> to vector<1x512xi32>
    %swap3A_273 = arith.constant 7 : index
    %swap3A_274 = arith.constant 0 : index
    %swap3A_275 = vector.load %arg2[%swap3A_273, %swap3A_274] : memref<16x512xi32, #tpu.memory_space<vmem>>, vector<1x512xi32>
    tpu.vector_store %arg2[%swap3A_273, %swap3A_274], %broadcast_in_dim3A_272 {strides = array<i32>} : memref<16x512xi32, #tpu.memory_space<vmem>>, vector<1x512xi32>,
    %slice3A_276 = vector.extract_strided_slice %select_n3A_18 {offsets = [8, 0], sizes = [1, 512], strides = [1, 1]} : vector<16x512xf32> to vector<1x512xf32>
    %jit3A_277 = arith.constant 0.000000e+00 : f32
    %broadcast_in_dim3A_278 = vector.shape_cast %slice3A_276 : vector<1x512xf32> to vector<1x512xf32>
    %broadcast_in_dim3A_279 = vector.broadcast %broadcast_in_dim3A_278 : vector<1x512xf32> to vector<512x512xf32>
    %broadcast_in_dim3A_280 = vector.broadcast %jit3A_277 : f32 to vector<512x512xf32>
    %select_n3A_281 = arith.select %eq3A, %broadcast_in_dim3A_279, %broadcast_in_dim3A_280 : vector<512x512xi1>, vector<512x512xf32>
    %reduce_sum3A_282 = arith.constant dense<0.000000e+00> : vector<512xf32>
    %reduce_sum3A_283 = vector.multi_reduction <add>, %select_n3A_281, %reduce_sum3A_282 [1] : vector<512x512xf32> to vector<512xf32>
    %broadcast_in_dim3A_284 = vector.shape_cast %reduce_sum3A_283 : vector<512xf32> to vector<512x1xf32>
    %gt3A_285 = vector.broadcast %slice3A_276 : vector<1x512xf32> to vector<512x512xf32>
    %gt3A_286 = vector.broadcast %broadcast_in_dim3A_284 : vector<512x1xf32> to vector<512x512xf32>
    %gt3A_287 = arith.cmpf ogt, %gt3A_285, %gt3A_286 : vector<512x512xf32>
    %eq3A_288 = vector.broadcast %slice3A_276 : vector<1x512xf32> to vector<512x512xf32>
    %eq3A_289 = vector.broadcast %broadcast_in_dim3A_284 : vector<512x1xf32> to vector<512x512xf32>
    %eq3A_290 = arith.cmpf oeq, %eq3A_288, %eq3A_289 : vector<512x512xf32>
    %lt3A_291 = arith.cmpi slt, %iota3A_19, %iota3A : vector<512x512xi32>
    %and3A_292 = arith.andi %eq3A_290, %lt3A_291 : vector<512x512xi1>
    %or3A_293 = arith.ori %gt3A_287, %and3A_292 : vector<512x512xi1>
    %convert_element_type3A_294 = arith.extui %or3A_293 : vector<512x512xi1> to vector<512x512xi32>
    %reduce_sum3A_295 = arith.constant dense<0> : vector<512xi32>
    %reduce_sum3A_296 = vector.multi_reduction <add>, %convert_element_type3A_294, %reduce_sum3A_295 [1] : vector<512x512xi32> to vector<512xi32>
    %broadcast_in_dim3A_297 = vector.shape_cast %reduce_sum3A_296 : vector<512xi32> to vector<512x1xi32>
    %eq3A_298 = vector.broadcast %broadcast_in_dim3A_297 : vector<512x1xi32> to vector<512x512xi32>
    %eq3A_299 = arith.cmpi eq, %eq3A_298, %iota3A_19 : vector<512x512xi32>
    %jit3A_300 = arith.constant 0 : i32
    %broadcast_in_dim3A_301 = vector.broadcast %jit3A_300 : i32 to vector<512x512xi32>
    %select_n3A_302 = arith.select %eq3A_299, %iota3A, %broadcast_in_dim3A_301 : vector<512x512xi1>, vector<512x512xi32>
    %reduce_sum3A_303 = arith.constant dense<0> : vector<512xi32>
    %reduce_sum3A_304 = vector.multi_reduction <add>, %select_n3A_302, %reduce_sum3A_303 [0] : vector<512x512xi32> to vector<512xi32>
    %broadcast_in_dim3A_305 = vector.shape_cast %reduce_sum3A_304 : vector<512xi32> to vector<1x512xi32>
    %swap3A_306 = arith.constant 8 : index
    %swap3A_307 = arith.constant 0 : index
    %swap3A_308 = vector.load %arg2[%swap3A_306, %swap3A_307] : memref<16x512xi32, #tpu.memory_space<vmem>>, vector<1x512xi32>
    tpu.vector_store %arg2[%swap3A_306, %swap3A_307], %broadcast_in_dim3A_305 {strides = array<i32>} : memref<16x512xi32, #tpu.memory_space<vmem>>, vector<1x512xi32>,
    %slice3A_309 = vector.extract_strided_slice %select_n3A_18 {offsets = [9, 0], sizes = [1, 512], strides = [1, 1]} : vector<16x512xf32> to vector<1x512xf32>
    %jit3A_310 = arith.constant 0.000000e+00 : f32
    %broadcast_in_dim3A_311 = vector.shape_cast %slice3A_309 : vector<1x512xf32> to vector<1x512xf32>
    %broadcast_in_dim3A_312 = vector.broadcast %broadcast_in_dim3A_311 : vector<1x512xf32> to vector<512x512xf32>
    %broadcast_in_dim3A_313 = vector.broadcast %jit3A_310 : f32 to vector<512x512xf32>
    %select_n3A_314 = arith.select %eq3A, %broadcast_in_dim3A_312, %broadcast_in_dim3A_313 : vector<512x512xi1>, vector<512x512xf32>
    %reduce_sum3A_315 = arith.constant dense<0.000000e+00> : vector<512xf32>
    %reduce_sum3A_316 = vector.multi_reduction <add>, %select_n3A_314, %reduce_sum3A_315 [1] : vector<512x512xf32> to vector<512xf32>
    %broadcast_in_dim3A_317 = vector.shape_cast %reduce_sum3A_316 : vector<512xf32> to vector<512x1xf32>
    %gt3A_318 = vector.broadcast %slice3A_309 : vector<1x512xf32> to vector<512x512xf32>
    %gt3A_319 = vector.broadcast %broadcast_in_dim3A_317 : vector<512x1xf32> to vector<512x512xf32>
    %gt3A_320 = arith.cmpf ogt, %gt3A_318, %gt3A_319 : vector<512x512xf32>
    %eq3A_321 = vector.broadcast %slice3A_309 : vector<1x512xf32> to vector<512x512xf32>
    %eq3A_322 = vector.broadcast %broadcast_in_dim3A_317 : vector<512x1xf32> to vector<512x512xf32>
    %eq3A_323 = arith.cmpf oeq, %eq3A_321, %eq3A_322 : vector<512x512xf32>
    %lt3A_324 = arith.cmpi slt, %iota3A_19, %iota3A : vector<512x512xi32>
    %and3A_325 = arith.andi %eq3A_323, %lt3A_324 : vector<512x512xi1>
    %or3A_326 = arith.ori %gt3A_320, %and3A_325 : vector<512x512xi1>
    %convert_element_type3A_327 = arith.extui %or3A_326 : vector<512x512xi1> to vector<512x512xi32>
    %reduce_sum3A_328 = arith.constant dense<0> : vector<512xi32>
    %reduce_sum3A_329 = vector.multi_reduction <add>, %convert_element_type3A_327, %reduce_sum3A_328 [1] : vector<512x512xi32> to vector<512xi32>
    %broadcast_in_dim3A_330 = vector.shape_cast %reduce_sum3A_329 : vector<512xi32> to vector<512x1xi32>
    %eq3A_331 = vector.broadcast %broadcast_in_dim3A_330 : vector<512x1xi32> to vector<512x512xi32>
    %eq3A_332 = arith.cmpi eq, %eq3A_331, %iota3A_19 : vector<512x512xi32>
    %jit3A_333 = arith.constant 0 : i32
    %broadcast_in_dim3A_334 = vector.broadcast %jit3A_333 : i32 to vector<512x512xi32>
    %select_n3A_335 = arith.select %eq3A_332, %iota3A, %broadcast_in_dim3A_334 : vector<512x512xi1>, vector<512x512xi32>
    %reduce_sum3A_336 = arith.constant dense<0> : vector<512xi32>
    %reduce_sum3A_337 = vector.multi_reduction <add>, %select_n3A_335, %reduce_sum3A_336 [0] : vector<512x512xi32> to vector<512xi32>
    %broadcast_in_dim3A_338 = vector.shape_cast %reduce_sum3A_337 : vector<512xi32> to vector<1x512xi32>
    %swap3A_339 = arith.constant 9 : index
    %swap3A_340 = arith.constant 0 : index
    %swap3A_341 = vector.load %arg2[%swap3A_339, %swap3A_340] : memref<16x512xi32, #tpu.memory_space<vmem>>, vector<1x512xi32>
    tpu.vector_store %arg2[%swap3A_339, %swap3A_340], %broadcast_in_dim3A_338 {strides = array<i32>} : memref<16x512xi32, #tpu.memory_space<vmem>>, vector<1x512xi32>,
    %slice3A_342 = vector.extract_strided_slice %select_n3A_18 {offsets = [10, 0], sizes = [1, 512], strides = [1, 1]} : vector<16x512xf32> to vector<1x512xf32>
    %jit3A_343 = arith.constant 0.000000e+00 : f32
    %broadcast_in_dim3A_344 = vector.shape_cast %slice3A_342 : vector<1x512xf32> to vector<1x512xf32>
    %broadcast_in_dim3A_345 = vector.broadcast %broadcast_in_dim3A_344 : vector<1x512xf32> to vector<512x512xf32>
    %broadcast_in_dim3A_346 = vector.broadcast %jit3A_343 : f32 to vector<512x512xf32>
    %select_n3A_347 = arith.select %eq3A, %broadcast_in_dim3A_345, %broadcast_in_dim3A_346 : vector<512x512xi1>, vector<512x512xf32>
    %reduce_sum3A_348 = arith.constant dense<0.000000e+00> : vector<512xf32>
    %reduce_sum3A_349 = vector.multi_reduction <add>, %select_n3A_347, %reduce_sum3A_348 [1] : vector<512x512xf32> to vector<512xf32>
    %broadcast_in_dim3A_350 = vector.shape_cast %reduce_sum3A_349 : vector<512xf32> to vector<512x1xf32>
    %gt3A_351 = vector.broadcast %slice3A_342 : vector<1x512xf32> to vector<512x512xf32>
    %gt3A_352 = vector.broadcast %broadcast_in_dim3A_350 : vector<512x1xf32> to vector<512x512xf32>
    %gt3A_353 = arith.cmpf ogt, %gt3A_351, %gt3A_352 : vector<512x512xf32>
    %eq3A_354 = vector.broadcast %slice3A_342 : vector<1x512xf32> to vector<512x512xf32>
    %eq3A_355 = vector.broadcast %broadcast_in_dim3A_350 : vector<512x1xf32> to vector<512x512xf32>
    %eq3A_356 = arith.cmpf oeq, %eq3A_354, %eq3A_355 : vector<512x512xf32>
    %lt3A_357 = arith.cmpi slt, %iota3A_19, %iota3A : vector<512x512xi32>
    %and3A_358 = arith.andi %eq3A_356, %lt3A_357 : vector<512x512xi1>
    %or3A_359 = arith.ori %gt3A_353, %and3A_358 : vector<512x512xi1>
    %convert_element_type3A_360 = arith.extui %or3A_359 : vector<512x512xi1> to vector<512x512xi32>
    %reduce_sum3A_361 = arith.constant dense<0> : vector<512xi32>
    %reduce_sum3A_362 = vector.multi_reduction <add>, %convert_element_type3A_360, %reduce_sum3A_361 [1] : vector<512x512xi32> to vector<512xi32>
    %broadcast_in_dim3A_363 = vector.shape_cast %reduce_sum3A_362 : vector<512xi32> to vector<512x1xi32>
    %eq3A_364 = vector.broadcast %broadcast_in_dim3A_363 : vector<512x1xi32> to vector<512x512xi32>
    %eq3A_365 = arith.cmpi eq, %eq3A_364, %iota3A_19 : vector<512x512xi32>
    %jit3A_366 = arith.constant 0 : i32
    %broadcast_in_dim3A_367 = vector.broadcast %jit3A_366 : i32 to vector<512x512xi32>
    %select_n3A_368 = arith.select %eq3A_365, %iota3A, %broadcast_in_dim3A_367 : vector<512x512xi1>, vector<512x512xi32>
    %reduce_sum3A_369 = arith.constant dense<0> : vector<512xi32>
    %reduce_sum3A_370 = vector.multi_reduction <add>, %select_n3A_368, %reduce_sum3A_369 [0] : vector<512x512xi32> to vector<512xi32>
    %broadcast_in_dim3A_371 = vector.shape_cast %reduce_sum3A_370 : vector<512xi32> to vector<1x512xi32>
    %swap3A_372 = arith.constant 10 : index
    %swap3A_373 = arith.constant 0 : index
    %swap3A_374 = vector.load %arg2[%swap3A_372, %swap3A_373] : memref<16x512xi32, #tpu.memory_space<vmem>>, vector<1x512xi32>
    tpu.vector_store %arg2[%swap3A_372, %swap3A_373], %broadcast_in_dim3A_371 {strides = array<i32>} : memref<16x512xi32, #tpu.memory_space<vmem>>, vector<1x512xi32>,
    %slice3A_375 = vector.extract_strided_slice %select_n3A_18 {offsets = [11, 0], sizes = [1, 512], strides = [1, 1]} : vector<16x512xf32> to vector<1x512xf32>
    %jit3A_376 = arith.constant 0.000000e+00 : f32
    %broadcast_in_dim3A_377 = vector.shape_cast %slice3A_375 : vector<1x512xf32> to vector<1x512xf32>
    %broadcast_in_dim3A_378 = vector.broadcast %broadcast_in_dim3A_377 : vector<1x512xf32> to vector<512x512xf32>
    %broadcast_in_dim3A_379 = vector.broadcast %jit3A_376 : f32 to vector<512x512xf32>
    %select_n3A_380 = arith.select %eq3A, %broadcast_in_dim3A_378, %broadcast_in_dim3A_379 : vector<512x512xi1>, vector<512x512xf32>
    %reduce_sum3A_381 = arith.constant dense<0.000000e+00> : vector<512xf32>
    %reduce_sum3A_382 = vector.multi_reduction <add>, %select_n3A_380, %reduce_sum3A_381 [1] : vector<512x512xf32> to vector<512xf32>
    %broadcast_in_dim3A_383 = vector.shape_cast %reduce_sum3A_382 : vector<512xf32> to vector<512x1xf32>
    %gt3A_384 = vector.broadcast %slice3A_375 : vector<1x512xf32> to vector<512x512xf32>
    %gt3A_385 = vector.broadcast %broadcast_in_dim3A_383 : vector<512x1xf32> to vector<512x512xf32>
    %gt3A_386 = arith.cmpf ogt, %gt3A_384, %gt3A_385 : vector<512x512xf32>
    %eq3A_387 = vector.broadcast %slice3A_375 : vector<1x512xf32> to vector<512x512xf32>
    %eq3A_388 = vector.broadcast %broadcast_in_dim3A_383 : vector<512x1xf32> to vector<512x512xf32>
    %eq3A_389 = arith.cmpf oeq, %eq3A_387, %eq3A_388 : vector<512x512xf32>
    %lt3A_390 = arith.cmpi slt, %iota3A_19, %iota3A : vector<512x512xi32>
    %and3A_391 = arith.andi %eq3A_389, %lt3A_390 : vector<512x512xi1>
    %or3A_392 = arith.ori %gt3A_386, %and3A_391 : vector<512x512xi1>
    %convert_element_type3A_393 = arith.extui %or3A_392 : vector<512x512xi1> to vector<512x512xi32>
    %reduce_sum3A_394 = arith.constant dense<0> : vector<512xi32>
    %reduce_sum3A_395 = vector.multi_reduction <add>, %convert_element_type3A_393, %reduce_sum3A_394 [1] : vector<512x512xi32> to vector<512xi32>
    %broadcast_in_dim3A_396 = vector.shape_cast %reduce_sum3A_395 : vector<512xi32> to vector<512x1xi32>
    %eq3A_397 = vector.broadcast %broadcast_in_dim3A_396 : vector<512x1xi32> to vector<512x512xi32>
    %eq3A_398 = arith.cmpi eq, %eq3A_397, %iota3A_19 : vector<512x512xi32>
    %jit3A_399 = arith.constant 0 : i32
    %broadcast_in_dim3A_400 = vector.broadcast %jit3A_399 : i32 to vector<512x512xi32>
    %select_n3A_401 = arith.select %eq3A_398, %iota3A, %broadcast_in_dim3A_400 : vector<512x512xi1>, vector<512x512xi32>
    %reduce_sum3A_402 = arith.constant dense<0> : vector<512xi32>
    %reduce_sum3A_403 = vector.multi_reduction <add>, %select_n3A_401, %reduce_sum3A_402 [0] : vector<512x512xi32> to vector<512xi32>
    %broadcast_in_dim3A_404 = vector.shape_cast %reduce_sum3A_403 : vector<512xi32> to vector<1x512xi32>
    %swap3A_405 = arith.constant 11 : index
    %swap3A_406 = arith.constant 0 : index
    %swap3A_407 = vector.load %arg2[%swap3A_405, %swap3A_406] : memref<16x512xi32, #tpu.memory_space<vmem>>, vector<1x512xi32>
    tpu.vector_store %arg2[%swap3A_405, %swap3A_406], %broadcast_in_dim3A_404 {strides = array<i32>} : memref<16x512xi32, #tpu.memory_space<vmem>>, vector<1x512xi32>,
    %slice3A_408 = vector.extract_strided_slice %select_n3A_18 {offsets = [12, 0], sizes = [1, 512], strides = [1, 1]} : vector<16x512xf32> to vector<1x512xf32>
    %jit3A_409 = arith.constant 0.000000e+00 : f32
    %broadcast_in_dim3A_410 = vector.shape_cast %slice3A_408 : vector<1x512xf32> to vector<1x512xf32>
    %broadcast_in_dim3A_411 = vector.broadcast %broadcast_in_dim3A_410 : vector<1x512xf32> to vector<512x512xf32>
    %broadcast_in_dim3A_412 = vector.broadcast %jit3A_409 : f32 to vector<512x512xf32>
    %select_n3A_413 = arith.select %eq3A, %broadcast_in_dim3A_411, %broadcast_in_dim3A_412 : vector<512x512xi1>, vector<512x512xf32>
    %reduce_sum3A_414 = arith.constant dense<0.000000e+00> : vector<512xf32>
    %reduce_sum3A_415 = vector.multi_reduction <add>, %select_n3A_413, %reduce_sum3A_414 [1] : vector<512x512xf32> to vector<512xf32>
    %broadcast_in_dim3A_416 = vector.shape_cast %reduce_sum3A_415 : vector<512xf32> to vector<512x1xf32>
    %gt3A_417 = vector.broadcast %slice3A_408 : vector<1x512xf32> to vector<512x512xf32>
    %gt3A_418 = vector.broadcast %broadcast_in_dim3A_416 : vector<512x1xf32> to vector<512x512xf32>
    %gt3A_419 = arith.cmpf ogt, %gt3A_417, %gt3A_418 : vector<512x512xf32>
    %eq3A_420 = vector.broadcast %slice3A_408 : vector<1x512xf32> to vector<512x512xf32>
    %eq3A_421 = vector.broadcast %broadcast_in_dim3A_416 : vector<512x1xf32> to vector<512x512xf32>
    %eq3A_422 = arith.cmpf oeq, %eq3A_420, %eq3A_421 : vector<512x512xf32>
    %lt3A_423 = arith.cmpi slt, %iota3A_19, %iota3A : vector<512x512xi32>
    %and3A_424 = arith.andi %eq3A_422, %lt3A_423 : vector<512x512xi1>
    %or3A_425 = arith.ori %gt3A_419, %and3A_424 : vector<512x512xi1>
    %convert_element_type3A_426 = arith.extui %or3A_425 : vector<512x512xi1> to vector<512x512xi32>
    %reduce_sum3A_427 = arith.constant dense<0> : vector<512xi32>
    %reduce_sum3A_428 = vector.multi_reduction <add>, %convert_element_type3A_426, %reduce_sum3A_427 [1] : vector<512x512xi32> to vector<512xi32>
    %broadcast_in_dim3A_429 = vector.shape_cast %reduce_sum3A_428 : vector<512xi32> to vector<512x1xi32>
    %eq3A_430 = vector.broadcast %broadcast_in_dim3A_429 : vector<512x1xi32> to vector<512x512xi32>
    %eq3A_431 = arith.cmpi eq, %eq3A_430, %iota3A_19 : vector<512x512xi32>
    %jit3A_432 = arith.constant 0 : i32
    %broadcast_in_dim3A_433 = vector.broadcast %jit3A_432 : i32 to vector<512x512xi32>
    %select_n3A_434 = arith.select %eq3A_431, %iota3A, %broadcast_in_dim3A_433 : vector<512x512xi1>, vector<512x512xi32>
    %reduce_sum3A_435 = arith.constant dense<0> : vector<512xi32>
    %reduce_sum3A_436 = vector.multi_reduction <add>, %select_n3A_434, %reduce_sum3A_435 [0] : vector<512x512xi32> to vector<512xi32>
    %broadcast_in_dim3A_437 = vector.shape_cast %reduce_sum3A_436 : vector<512xi32> to vector<1x512xi32>
    %swap3A_438 = arith.constant 12 : index
    %swap3A_439 = arith.constant 0 : index
    %swap3A_440 = vector.load %arg2[%swap3A_438, %swap3A_439] : memref<16x512xi32, #tpu.memory_space<vmem>>, vector<1x512xi32>
    tpu.vector_store %arg2[%swap3A_438, %swap3A_439], %broadcast_in_dim3A_437 {strides = array<i32>} : memref<16x512xi32, #tpu.memory_space<vmem>>, vector<1x512xi32>,
    %slice3A_441 = vector.extract_strided_slice %select_n3A_18 {offsets = [13, 0], sizes = [1, 512], strides = [1, 1]} : vector<16x512xf32> to vector<1x512xf32>
    %jit3A_442 = arith.constant 0.000000e+00 : f32
    %broadcast_in_dim3A_443 = vector.shape_cast %slice3A_441 : vector<1x512xf32> to vector<1x512xf32>
    %broadcast_in_dim3A_444 = vector.broadcast %broadcast_in_dim3A_443 : vector<1x512xf32> to vector<512x512xf32>
    %broadcast_in_dim3A_445 = vector.broadcast %jit3A_442 : f32 to vector<512x512xf32>
    %select_n3A_446 = arith.select %eq3A, %broadcast_in_dim3A_444, %broadcast_in_dim3A_445 : vector<512x512xi1>, vector<512x512xf32>
    %reduce_sum3A_447 = arith.constant dense<0.000000e+00> : vector<512xf32>
    %reduce_sum3A_448 = vector.multi_reduction <add>, %select_n3A_446, %reduce_sum3A_447 [1] : vector<512x512xf32> to vector<512xf32>
    %broadcast_in_dim3A_449 = vector.shape_cast %reduce_sum3A_448 : vector<512xf32> to vector<512x1xf32>
    %gt3A_450 = vector.broadcast %slice3A_441 : vector<1x512xf32> to vector<512x512xf32>
    %gt3A_451 = vector.broadcast %broadcast_in_dim3A_449 : vector<512x1xf32> to vector<512x512xf32>
    %gt3A_452 = arith.cmpf ogt, %gt3A_450, %gt3A_451 : vector<512x512xf32>
    %eq3A_453 = vector.broadcast %slice3A_441 : vector<1x512xf32> to vector<512x512xf32>
    %eq3A_454 = vector.broadcast %broadcast_in_dim3A_449 : vector<512x1xf32> to vector<512x512xf32>
    %eq3A_455 = arith.cmpf oeq, %eq3A_453, %eq3A_454 : vector<512x512xf32>
    %lt3A_456 = arith.cmpi slt, %iota3A_19, %iota3A : vector<512x512xi32>
    %and3A_457 = arith.andi %eq3A_455, %lt3A_456 : vector<512x512xi1>
    %or3A_458 = arith.ori %gt3A_452, %and3A_457 : vector<512x512xi1>
    %convert_element_type3A_459 = arith.extui %or3A_458 : vector<512x512xi1> to vector<512x512xi32>
    %reduce_sum3A_460 = arith.constant dense<0> : vector<512xi32>
    %reduce_sum3A_461 = vector.multi_reduction <add>, %convert_element_type3A_459, %reduce_sum3A_460 [1] : vector<512x512xi32> to vector<512xi32>
    %broadcast_in_dim3A_462 = vector.shape_cast %reduce_sum3A_461 : vector<512xi32> to vector<512x1xi32>
    %eq3A_463 = vector.broadcast %broadcast_in_dim3A_462 : vector<512x1xi32> to vector<512x512xi32>
    %eq3A_464 = arith.cmpi eq, %eq3A_463, %iota3A_19 : vector<512x512xi32>
    %jit3A_465 = arith.constant 0 : i32
    %broadcast_in_dim3A_466 = vector.broadcast %jit3A_465 : i32 to vector<512x512xi32>
    %select_n3A_467 = arith.select %eq3A_464, %iota3A, %broadcast_in_dim3A_466 : vector<512x512xi1>, vector<512x512xi32>
    %reduce_sum3A_468 = arith.constant dense<0> : vector<512xi32>
    %reduce_sum3A_469 = vector.multi_reduction <add>, %select_n3A_467, %reduce_sum3A_468 [0] : vector<512x512xi32> to vector<512xi32>
    %broadcast_in_dim3A_470 = vector.shape_cast %reduce_sum3A_469 : vector<512xi32> to vector<1x512xi32>
    %swap3A_471 = arith.constant 13 : index
    %swap3A_472 = arith.constant 0 : index
    %swap3A_473 = vector.load %arg2[%swap3A_471, %swap3A_472] : memref<16x512xi32, #tpu.memory_space<vmem>>, vector<1x512xi32>
    tpu.vector_store %arg2[%swap3A_471, %swap3A_472], %broadcast_in_dim3A_470 {strides = array<i32>} : memref<16x512xi32, #tpu.memory_space<vmem>>, vector<1x512xi32>,
    %slice3A_474 = vector.extract_strided_slice %select_n3A_18 {offsets = [14, 0], sizes = [1, 512], strides = [1, 1]} : vector<16x512xf32> to vector<1x512xf32>
    %jit3A_475 = arith.constant 0.000000e+00 : f32
    %broadcast_in_dim3A_476 = vector.shape_cast %slice3A_474 : vector<1x512xf32> to vector<1x512xf32>
    %broadcast_in_dim3A_477 = vector.broadcast %broadcast_in_dim3A_476 : vector<1x512xf32> to vector<512x512xf32>
    %broadcast_in_dim3A_478 = vector.broadcast %jit3A_475 : f32 to vector<512x512xf32>
    %select_n3A_479 = arith.select %eq3A, %broadcast_in_dim3A_477, %broadcast_in_dim3A_478 : vector<512x512xi1>, vector<512x512xf32>
    %reduce_sum3A_480 = arith.constant dense<0.000000e+00> : vector<512xf32>
    %reduce_sum3A_481 = vector.multi_reduction <add>, %select_n3A_479, %reduce_sum3A_480 [1] : vector<512x512xf32> to vector<512xf32>
    %broadcast_in_dim3A_482 = vector.shape_cast %reduce_sum3A_481 : vector<512xf32> to vector<512x1xf32>
    %gt3A_483 = vector.broadcast %slice3A_474 : vector<1x512xf32> to vector<512x512xf32>
    %gt3A_484 = vector.broadcast %broadcast_in_dim3A_482 : vector<512x1xf32> to vector<512x512xf32>
    %gt3A_485 = arith.cmpf ogt, %gt3A_483, %gt3A_484 : vector<512x512xf32>
    %eq3A_486 = vector.broadcast %slice3A_474 : vector<1x512xf32> to vector<512x512xf32>
    %eq3A_487 = vector.broadcast %broadcast_in_dim3A_482 : vector<512x1xf32> to vector<512x512xf32>
    %eq3A_488 = arith.cmpf oeq, %eq3A_486, %eq3A_487 : vector<512x512xf32>
    %lt3A_489 = arith.cmpi slt, %iota3A_19, %iota3A : vector<512x512xi32>
    %and3A_490 = arith.andi %eq3A_488, %lt3A_489 : vector<512x512xi1>
    %or3A_491 = arith.ori %gt3A_485, %and3A_490 : vector<512x512xi1>
    %convert_element_type3A_492 = arith.extui %or3A_491 : vector<512x512xi1> to vector<512x512xi32>
    %reduce_sum3A_493 = arith.constant dense<0> : vector<512xi32>
    %reduce_sum3A_494 = vector.multi_reduction <add>, %convert_element_type3A_492, %reduce_sum3A_493 [1] : vector<512x512xi32> to vector<512xi32>
    %broadcast_in_dim3A_495 = vector.shape_cast %reduce_sum3A_494 : vector<512xi32> to vector<512x1xi32>
    %eq3A_496 = vector.broadcast %broadcast_in_dim3A_495 : vector<512x1xi32> to vector<512x512xi32>
    %eq3A_497 = arith.cmpi eq, %eq3A_496, %iota3A_19 : vector<512x512xi32>
    %jit3A_498 = arith.constant 0 : i32
    %broadcast_in_dim3A_499 = vector.broadcast %jit3A_498 : i32 to vector<512x512xi32>
    %select_n3A_500 = arith.select %eq3A_497, %iota3A, %broadcast_in_dim3A_499 : vector<512x512xi1>, vector<512x512xi32>
    %reduce_sum3A_501 = arith.constant dense<0> : vector<512xi32>
    %reduce_sum3A_502 = vector.multi_reduction <add>, %select_n3A_500, %reduce_sum3A_501 [0] : vector<512x512xi32> to vector<512xi32>
    %broadcast_in_dim3A_503 = vector.shape_cast %reduce_sum3A_502 : vector<512xi32> to vector<1x512xi32>
    %swap3A_504 = arith.constant 14 : index
    %swap3A_505 = arith.constant 0 : index
    %swap3A_506 = vector.load %arg2[%swap3A_504, %swap3A_505] : memref<16x512xi32, #tpu.memory_space<vmem>>, vector<1x512xi32>
    tpu.vector_store %arg2[%swap3A_504, %swap3A_505], %broadcast_in_dim3A_503 {strides = array<i32>} : memref<16x512xi32, #tpu.memory_space<vmem>>, vector<1x512xi32>,
    %slice3A_507 = vector.extract_strided_slice %select_n3A_18 {offsets = [15, 0], sizes = [1, 512], strides = [1, 1]} : vector<16x512xf32> to vector<1x512xf32>
    %jit3A_508 = arith.constant 0.000000e+00 : f32
    %broadcast_in_dim3A_509 = vector.shape_cast %slice3A_507 : vector<1x512xf32> to vector<1x512xf32>
    %broadcast_in_dim3A_510 = vector.broadcast %broadcast_in_dim3A_509 : vector<1x512xf32> to vector<512x512xf32>
    %broadcast_in_dim3A_511 = vector.broadcast %jit3A_508 : f32 to vector<512x512xf32>
    %select_n3A_512 = arith.select %eq3A, %broadcast_in_dim3A_510, %broadcast_in_dim3A_511 : vector<512x512xi1>, vector<512x512xf32>
    %reduce_sum3A_513 = arith.constant dense<0.000000e+00> : vector<512xf32>
    %reduce_sum3A_514 = vector.multi_reduction <add>, %select_n3A_512, %reduce_sum3A_513 [1] : vector<512x512xf32> to vector<512xf32>
    %broadcast_in_dim3A_515 = vector.shape_cast %reduce_sum3A_514 : vector<512xf32> to vector<512x1xf32>
    %gt3A_516 = vector.broadcast %slice3A_507 : vector<1x512xf32> to vector<512x512xf32>
    %gt3A_517 = vector.broadcast %broadcast_in_dim3A_515 : vector<512x1xf32> to vector<512x512xf32>
    %gt3A_518 = arith.cmpf ogt, %gt3A_516, %gt3A_517 : vector<512x512xf32>
    %eq3A_519 = vector.broadcast %slice3A_507 : vector<1x512xf32> to vector<512x512xf32>
    %eq3A_520 = vector.broadcast %broadcast_in_dim3A_515 : vector<512x1xf32> to vector<512x512xf32>
    %eq3A_521 = arith.cmpf oeq, %eq3A_519, %eq3A_520 : vector<512x512xf32>
    %lt3A_522 = arith.cmpi slt, %iota3A_19, %iota3A : vector<512x512xi32>
    %and3A_523 = arith.andi %eq3A_521, %lt3A_522 : vector<512x512xi1>
    %or3A_524 = arith.ori %gt3A_518, %and3A_523 : vector<512x512xi1>
    %convert_element_type3A_525 = arith.extui %or3A_524 : vector<512x512xi1> to vector<512x512xi32>
    %reduce_sum3A_526 = arith.constant dense<0> : vector<512xi32>
    %reduce_sum3A_527 = vector.multi_reduction <add>, %convert_element_type3A_525, %reduce_sum3A_526 [1] : vector<512x512xi32> to vector<512xi32>
    %broadcast_in_dim3A_528 = vector.shape_cast %reduce_sum3A_527 : vector<512xi32> to vector<512x1xi32>
    %eq3A_529 = vector.broadcast %broadcast_in_dim3A_528 : vector<512x1xi32> to vector<512x512xi32>
    %eq3A_530 = arith.cmpi eq, %eq3A_529, %iota3A_19 : vector<512x512xi32>
    %jit3A_531 = arith.constant 0 : i32
    %broadcast_in_dim3A_532 = vector.broadcast %jit3A_531 : i32 to vector<512x512xi32>
    %select_n3A_533 = arith.select %eq3A_530, %iota3A, %broadcast_in_dim3A_532 : vector<512x512xi1>, vector<512x512xi32>
    %reduce_sum3A_534 = arith.constant dense<0> : vector<512xi32>
    %reduce_sum3A_535 = vector.multi_reduction <add>, %select_n3A_533, %reduce_sum3A_534 [0] : vector<512x512xi32> to vector<512xi32>
    %broadcast_in_dim3A_536 = vector.shape_cast %reduce_sum3A_535 : vector<512xi32> to vector<1x512xi32>
    %swap3A_537 = arith.constant 15 : index
    %swap3A_538 = arith.constant 0 : index
    %swap3A_539 = vector.load %arg2[%swap3A_537, %swap3A_538] : memref<16x512xi32, #tpu.memory_space<vmem>>, vector<1x512xi32>
    tpu.vector_store %arg2[%swap3A_537, %swap3A_538], %broadcast_in_dim3A_536 {strides = array<i32>} : memref<16x512xi32, #tpu.memory_space<vmem>>, vector<1x512xi32>,
    return
  }
  func.func @transform_0(%arg0: i32) -> (i32, i32, i32) {
    %c0_i32 = arith.constant 0 : i32
    %c0_i32_0 = arith.constant 0 : i32
    %c0_i32_1 = arith.constant 0 : i32
    %c0_i32_2 = arith.constant 0 : i32
    return %c0_i32, %c0_i32_0, %c0_i32_1 : i32, i32, i32
  }
  func.func @transform_1(%arg0: i32) -> (i32, i32) {
    %c0_i32 = arith.constant 0 : i32
    %c0_i32_0 = arith.constant 0 : i32
    %c0_i32_1 = arith.constant 0 : i32
    return %c0_i32, %c0_i32_0 : i32, i32
  }
}

</mosaic_0001>

<sc_bundles>
// kernel: kernel.4.cloned.1.call-start
scs
__scs_entry_jumppad:
0x0: {  	(pc) =	sbr.rel $0x88, $3  }
0x1: {  	(tag) =	ssettag $0x0;
	lr =	simm.s32 $0x1  }
0x2: {  	[smem:$0x3F9E] =	sst lr;
	_ =	strace $0xD0000000  }
0x3: {  	_ = 	snop  }
0x4: {  	_ = 	snop  }
0x5: {  	_ = 	snop  }
0x6: {  	_ = 	snop  }
0x7: {  	_ = 	snop  }
__scs_overlays_trampoline_lowered:
0x8: {  	[smem:$0x3FAD] =	sst s0  }
0x9: {  	[smem:$0x3FAE] =	sst s1  }
0xa: {  	[smem:$0x3FAF] =	sst s2  }
0xb: {  	[smem:$0x3FB0] =	sst s3  }
0xc: {  	[smem:$0x3FB1] =	sst s4  }
0xd: {  	[smem:$0x3FB2] =	sst s5  }
0xe: {  	[smem:$0x3FB3] =	sst s6  }
0xf: {  	[smem:$0x3FB4] =	sst s7  }
0x10: {  	[smem:$0x3FB5] =	sst s8  }
0x11: {  	[smem:$0x3FB6] =	sst s9;
	s0 =	simm.s32 @!p0 $0x0  }
0x12: {  	s1 =	sld [smem:$0x3F9C];
	s0 =	simm.s32 @p0 $0x1  }
0x13: {  	[smem:$0x3FB7] =	sst s0;
	s0 =	simm.s32 @!p1 $0x0  }
0x14: {  	s2 =	sld [smem:$0x3F9B];
	s0 =	simm.s32 @p1 $0x1  }
0x15: {  	[smem:$0x3FB8] =	sst s0;
	s0 =	simm.s32 @!p2 $0x0  }
0x16: {  	s3 =	sld [smem:$0x3FDB];
	s0 =	simm.s32 @p2 $0x1  }
0x17: {  	s4 =	simm.s32 $0x1BF5;
	[smem:$0x3FBA] =	sst s0  }
0x18: {  	s0 =	sld [smem:$0x3F9D];
	_ =	swait.ge [sflag:s4], $0x0  }
0x19: {  	s7 =	sld [smem:$0x3F9E]  }
0x1a: {  	s8 =	sadd.s32 $0xFFFFE003, lr  }
0x1b: {  	s9 =	sadd.s32 $0xFFFFFEF7, lr;
	s5 =	simm.s32 $0xFFFFFFFF;
	p2 =	slt.u32 s8, $0xFFFFF086  }
0x1c: {  	p1 =	slt.u32 s9, $0xF7A;
	s5 =	simm.s32 @!p2 $0x0  }
0x1d: {  	s5 =	simm.s32 @p1 $0x1;
	p0 =	seq.s32 s7, s2  }
0x1e: {  	s7 =	smul.u32 @!p0 $0xF7A, s2;
	p2 =	seq.s32 @!p0 s5, $0x0  }
0x1f: {  	s9 =	smul.u32 $0xF7A, s1;
	s8 =	simm.s32 @!p0 $0x1BF5;
	p2 =	por !p2, p0  }
0x20: {  	[sflag:s8] =	ssyncset.s32 @!p0 $0xFFFFF086;
	s6 =	sadd.s32 @!p0 s3, s7;
	s7 =	simm.s32 @!p0 $0x108  }
0x21: {  	s3 =	sadd.s32 s3, s9;
	s6 =	sadd.s32 @!p0 $0x88, s6;
	s7 =	simm.s32 @p2 $0x1082  }
0x22: {  	[simem:s7], [sflag:s8] =	dma.local @!p0 [hbm:s6], $0xF7A  }
0x23: {  	s9 =	sor.u32 $0xD0000000, s2;
	s6 =	simm.s32 $0x108;
	_ =	swait.ge @!p0 [sflag:s8], $0x0  }
0x24: {  	s3 =	sadd.s32 $0x88, s3;
	s6 =	simm.s32 @!p1 $0x1082;
	[sflag:s4] =	ssyncset.s32 $0xFFFFF086  }
0x25: {  	[simem:s6], [sflag:s4] =	dma.local [hbm:s3], $0xF7A  }
0x26: {  	[smem:$0x3F9E] =	sst s1;
	(tag) =	ssettag s2;
	_ =	strace s9  }
0x27: {  	s1 =	sld [smem:$0x3FAE]  }
0x28: {  	s2 =	sld [smem:$0x3FAF]  }
0x29: {  	s4 =	sld [smem:$0x3FB1]  }
0x2a: {  	p0 =	seq.s32 s5, $0x0;
	s5 =	sld [smem:$0x3FB2]  }
0x2b: {  	s6 =	sld [smem:$0x3FB3]  }
0x2c: {  	s7 =	sld [smem:$0x3FB4]  }
0x2d: {  	s3 =	simm.s32 $0x108;
	s8 =	sld [smem:$0x3FB5]  }
0x2e: {  	s3 =	simm.s32 @!p0 $0x1082;
	s9 =	sld [smem:$0x3FB6]  }
0x2f: {  	lr =	sadd.s32 s0, s3;
	s0 =	sld [smem:$0x3FAD]  }
0x30: {  	s3 =	sld [smem:$0x3FB0]  }
0x31: {  	[smem:$0x3FB9] =	sst s10  }
0x32: {  	s10 =	sld [smem:$0x3FB7];
	_ =	sdelay $0x3  }
0x33: {  	p0 =	seq.s32 s10, $0x1;
	s10 =	sld [smem:$0x3FB9];
	_ =	sdelay $0x3  }
0x34: {  	[smem:$0x3FB9] =	sst s10  }
0x35: {  	s10 =	sld [smem:$0x3FB8];
	_ =	sdelay $0x3  }
0x36: {  	p1 =	seq.s32 s10, $0x1;
	s10 =	sld [smem:$0x3FB9];
	_ =	sdelay $0x3  }
0x37: {  	[smem:$0x3FB9] =	sst s10  }
0x38: {  	s10 =	sld [smem:$0x3FBA]  }
0x39: {  	_ = 	snop;
	(pc) =	sbr.ind lr, $3  }
0x3a: {  	_ = 	snop  }
0x3b: {  	_ = 	snop  }
0x3c: {  	p2 =	seq.s32 s10, $0x1;
	s10 =	sld [smem:$0x3FB9]  }
0x3d: {  	_ =	shalt  }
0x3e: {  	_ =	shalt  }
0x3f: {  	_ =	shalt  }
0x40: {  	_ =	shalt  }
0x41: {  	_ =	shalt  }
0x42: {  	_ =	shalt  }
0x43: {  	_ =	shalt  }
0x44: {  	_ =	shalt  }
0x45: {  	_ =	shalt  }
0x46: {  	_ =	shalt  }
0x47: {  	_ =	shalt  }
0x48: {  	_ =	shalt  }
0x49: {  	_ =	shalt  }
0x4a: {  	_ =	shalt  }
0x4b: {  	_ =	shalt  }
0x4c: {  	_ =	shalt  }
0x4d: {  	_ =	shalt  }
0x4e: {  	_ =	shalt  }
0x4f: {  	_ =	shalt  }
0x50: {  	_ =	shalt  }
0x51: {  	_ =	shalt  }
0x52: {  	_ =	shalt  }
0x53: {  	_ =	shalt  }
0x54: {  	_ =	shalt  }
0x55: {  	_ =	shalt  }
0x56: {  	_ =	shalt  }
0x57: {  	_ =	shalt  }
0x58: {  	_ =	shalt  }
0x59: {  	_ =	shalt  }
0x5a: {  	_ =	shalt  }
0x5b: {  	_ =	shalt  }
0x5c: {  	_ =	shalt  }
0x5d: {  	_ =	shalt  }
0x5e: {  	_ =	shalt  }
0x5f: {  	_ =	shalt  }
0x60: {  	_ =	shalt  }
0x61: {  	_ =	shalt  }
0x62: {  	_ =	shalt  }
0x63: {  	_ =	shalt  }
0x64: {  	_ =	shalt  }
0x65: {  	_ =	shalt  }
0x66: {  	_ =	shalt  }
0x67: {  	_ =	shalt  }
0x68: {  	_ =	shalt  }
0x69: {  	_ =	shalt  }
0x6a: {  	_ =	shalt  }
0x6b: {  	_ =	shalt  }
0x6c: {  	_ =	shalt  }
0x6d: {  	_ =	shalt  }
0x6e: {  	_ =	shalt  }
0x6f: {  	_ =	shalt  }
0x70: {  	_ =	shalt  }
0x71: {  	_ =	shalt  }
0x72: {  	_ =	shalt  }
0x73: {  	_ =	shalt  }
0x74: {  	_ =	shalt  }
0x75: {  	_ =	shalt  }
0x76: {  	_ =	shalt  }
0x77: {  	_ =	shalt  }
0x78: {  	_ =	shalt  }
0x79: {  	_ =	shalt  }
0x7a: {  	_ =	shalt  }
0x7b: {  	_ =	shalt  }
0x7c: {  	_ =	shalt  }
0x7d: {  	_ =	shalt  }
0x7e: {  	_ =	shalt  }
0x7f: {  	_ =	shalt  }
0x80: {  	_ =	shalt  }
0x81: {  	_ =	shalt  }
0x82: {  	_ =	shalt  }
0x83: {  	_ =	shalt  }
0x84: {  	_ =	shalt  }
0x85: {  	_ =	shalt  }
0x86: {  	_ =	shalt  }
0x87: {  	_ =	shalt  }
.Lfunc_end0:
.L_simem_size_0:
called_computation.2_lowered:
.L_overlay_start_0:
0x88: {  	s2 =	sld [smem:$0x3FD9]  }
0x89: {  	s3 =	sld [smem:$0x3FFE];
	_ =	sdelay $0x1  }
0x8a: {  	s1 =	srdreg.scid  }
0x8b: {  	s0 =	sand.u32 $0x1, s1  }
0x8c: {  	s14 =	sshll.u32 s0, $0xA;
	s2 =	sadd.s32 s3, s2  }
0x8d: {  	s2 =	sadd.s32 s2, s14  }
0x8e: {  	[smem:$0x3FC5] =	sst s2  }
0x8f: {  	_ = 	snop  }
0x90: {  	s2 =	sld [smem:$0x3FD0];
	_ =	sdelay $0x1  }
0x91: {  	s15 =	sld [smem:$0x3FC9]  }
0x92: {  	s5 =	simm.s32 $0xA;
	s6 =	simm.s32 $0x10;
	s4 =	sld [smem:$0x3FC8]  }
0x93: {  	[smem:s6], [sflag:s5] =	dma.local [hbm:s2], $0x1  }
0x94: {  	_ =	swait.eq [sflag:s5], $0x1  }
0x95: {  	s16 =	sld [smem:$0x10];
	[sflag:s5] =	ssyncset.done $0x0  }
0x96: {  	s17 =	sld [smem:$0x11];
	[sflag:s5] =	ssyncadd.s32 $0xFFFFFFFF  }
0x97: {  	s18 =	sld [smem:$0x12];
	(tm) =	ssettm $0x1  }
0x98: {  	s7 =	sld [smem:$0x3FFB];
	_ =	sdelay $0x3  }
0x99: {  	_ =	strace s7  }
0x9a: {  	s7 =	sld [smem:$0x3FFC];
	_ =	sdelay $0x3  }
0x9b: {  	_ =	strace s7  }
0x9c: {  	s7 =	sld [smem:$0x3FFD];
	_ =	sdelay $0x3  }
0x9d: {  	_ =	strace s7  }
0x9e: {  	_ =	strace $0x8FFFFFFF  }
0x9f: {  	s19 =	sld [smem:$0x3FDB];
	_ =	sdelay $0x1  }
0xa0: {  	s8 =	simm.s32 $_scs_section_size  }
0xa1: {  	s9 =	simm.s32 $_size__tile_overlayer_lowered;
	s10 =	simm.s32 $_tile_overlayer_lowered  }
0xa2: {  	s22 =	simm.s32 $0x1BFF;
	s21 =	sshll.u32 s10, $0x1;
	s7 =	sadd.s32 s8, s19  }
0xa3: {  	s11 =	simm.s32 $0x0;
	s20 =	sshll.u32 s9, $0x1;
	s9 =	sadd.s32 s21, s7  }
0xa4: {  	[timem:s11], [sflag:s22] =	dma.local [hbm:s9], s20  }
0xa5: {  	_ =	swait.ge [sflag:s22], s20  }
0xa6: {  	s8 =	ssub.s32 $0x0, s20;
	[sflag:s22] =	ssyncset.done $0x0  }
0xa7: {  	[sflag:s22] =	ssyncadd.s32 s8;
	_ =	sdelay $0x1  }
0xa8: {  	s23 =	simm.s32 $0x1B8B  }
0xa9: {  	_ =	swait.ge [sflag:s23], $0x1  }
0xaa: {  	[sflag:s23] =	ssyncset.done $0x0  }
0xab: {  	s25 =	simm.s32 $0x1B8E;
	s24 =	sld [smem:$0x3FFE];
	[sflag:s23] =	ssyncadd.s32 $0xFFFFFFFF  }
0xac: {  	s26 =	simm.s32 $execute0_lowered;
	[smem:$0x3FD2] =	sst s25  }
0xad: {  	s9 =	sshll.u32 s26, $0x1;
	_ =	strace $0x80000049;
	[dreg:$0x1] =	wrdreg $0xFFFFFFFF  }
0xae: {  	s28 =	simm.s32 $_size_execute0_lowered;
	s7 =	sadd.s32 s7, s9;
	[dreg:$0x0] =	wrdreg $0x0  }
0xaf: {  	s9 =	sshll.u32 s28, $0x1;
	[dreg:$0x2] =	wrdreg s7  }
0xb0: {  	[dreg:$0x3] =	wrdreg s9  }
0xb1: {  	[dreg:$0x4] =	wrdreg $0xC0  }
0xb2: {  	_ =	task [dreg:s11], $0x5FFFF  }
0xb3: {  	[dreg:$0x1] =	wrdreg $0xFFFFFFFF  }
0xb4: {  	[dreg:$0x0] =	wrdreg $0x60  }
0xb5: {  	[dreg:$0x2] =	wrdreg s24  }
0xb6: {  	[dreg:$0x3] =	wrdreg s15  }
0xb7: {  	[dreg:$0x4] =	wrdreg s4  }
0xb8: {  	[dreg:$0x5] =	wrdreg s18  }
0xb9: {  	[dreg:$0x6] =	wrdreg s16  }
0xba: {  	[dreg:$0x7] =	wrdreg s17  }
0xbb: {  	[dreg:$0x8] =	wrdreg $0x9  }
0xbc: {  	_ =	task.clear_ibuf [dreg:s11], $0x9FFFF;
	_ =	strace $0x90000049  }
0xbd: {  	s29 =	simm.s32 $0x9;
	_ =	strace $0x8000004B  }
0xbe: {  	_ =	swait.ge [sflag:s29], $0x1  }
0xbf: {  	[sflag:s29] =	ssyncadd.s32 $0xFFFFFFFF  }
0xc0: {  	_ =	strace $0x9000004B  }
0xc1: {  	_ =	sfence  }
0xc2: {  	s30 =	sld [smem:$0x0];
	_ =	sdelay $0x2  }
0xc3: {  	s31 =	sshll.u32 s1, $0xD;
	s1 =	sshrl.u32 s1, $0x2  }
0xc4: {  	s3 =	sand.u32 $0x4000, s31;
	s1 =	sadd.s32 s1, s30  }
0xc5: {  	s0 =	sor.u32 s3, s0;
	s1 =	sshll.u32 s1, $0x11  }
0xc6: {  	s0 =	sor.u32 s1, s0  }
0xc7: {  	s0 =	sadd.s32 $0x8F2B, s0  }
0xc8: {  	[sflag:s0] =	ssyncadd.remote.s32 $0x1  }
0xc9: {  	_ =	sfence.sel $0xFFFF  }
0xca: {  	[dreg:$0x0] =	wrdreg $0xFFFFFFFF;
	(pc) =	sbr.abs _section_cstart, $3  }
0xcb: {  	[dreg:$0x1] =	wrdreg $0xFFFFFFFF  }
0xcc: {  	_ =	task.clear_ibuf [dreg:s11], $0x2FFFF;
	_ =	strace $0x9FFFFFFF  }
0xcd: {  	(tm) =	ssettm $0x7FFFFFFF  }
tec
execute0_lowered:
.L_overlay_start_1:
0x0: {  	(tag) =	ssettag $0x1  }
0x1: {  	s5 =	rddreg [dreg:$0x0]  }
0x2: {  	s8 =	rddreg [dreg:$0x1]  }
0x3: {  	s10 =	rddreg [dreg:$0x2]  }
0x4: {  	s1 =	rddreg [dreg:$0x3]  }
0x5: {  	s9 =	rddreg [dreg:$0x4];
	s2 =	srdreg.scid  }
0x6: {  	s0 =	stileid.u32;
	s11 =	rddreg [dreg:$0x5]  }
0x7: {  	s3 =	simm.s32 $0x0;
	s17 =	sand.u32 $0x1, s2;
	s4 =	sshll.u32 s0, $0x1  }
0x8: {  	s12 =	simm.s32 $0x1;
	s16 =	simm.s32 $0xE000;
	s6 =	sor.u32 s17, s4  }
0x9: {  	s2 =	rddreg [dreg:$0x6];
	p0 =	seq.s32 s17, $0x1;
	p1 =	seq.s32 s6, $0x0  }
0xa: {  	[smem:$0x7FF] =	sst s3;
	s14 =	sshll.u32 s0, $0xC;
	p1 =	por !p1, !p0  }
0xb: {  	s18 =	sshll.u32 s0, $0x9;
	_ =	strace $0x8000004A;
	p1 =	por !p1, !p1  }
0xc: {  	s4 =	sadd.s32 $0x1000, s5;
	s7 =	ssub.s32 $0x2, s17;
	s12 =	simm.s32 @!p1 $0x0  }
0xd: {  	s5 =	sadd.s32 $0x141000, s5;
	s8 =	sadd.s32 s8, s14;
	s12 =	ssub.s32 s0, s12  }
0xe: {  	s9 =	sadd.s32 s9, s14;
	s15 =	sshll.u32 s12, $0xC;
	s12 =	sshll.u32 s12, $0xB  }
.Ltmp0:
0xf: {  	s13 =	sshrl.u32 s7, $0x1;
	s19 =	sshra.s32 s12, $0x2;
	(pc) =	sbr.rel .LBB2_1-.Ltmp0, $4  }
0x10: {  	v0 =	vlaneseq.u32;
	s14 =	simm.s32 $0x4000;
	v8 =	vmov s18;
	s6 =	smul.u32 $0x28, s6;
	s13 =	ssub.s32 s7, s13;
	v9 =	vmov s19  }
0x11: {  	v1 =	vor.u32 $0x10, v0;
	s7 =	simm.s32 $0x1;
	p1 =	seq.s32 s17, $0x0;
	s17 =	simm.s32 $0x0  }
0x12: {  	v2 =	vor.u32 $0x20, v0;
	v3 =	vor.u32 $0x30, v0;
	v4 =	vor.u32 $0x40, v0;
	s15 =	sand.u32 $0x1FFFF000, s15;
	s12 =	smax.u32 s13, $0x1;
	s13 =	simm.s32 $0x2000  }
0x13: {  	v5 =	vor.u32 $0x50, v0;
	v6 =	vor.u32 $0x60, v0;
	v7 =	vor.u32 $0x70, v0;
	s10 =	sadd.s32 s10, s15;
	s11 =	sadd.s32 s11, s15;
	s15 =	simm.s32 $0x6000  }
.LBB2_12:
0x14: {  	s17 =	sadd.s32 $0x1, s17  }
0x15: {  	p2 =	sne.s32 s17, s12  }
.Ltmp1:
0x16: {  	_ = 	snop;
	(pc) =	sbr.rel @!p2 .LBB2_13-.Ltmp1, $1  }
0x17: {  	_ =	sdelay $0x3  }
.LBB2_1:
0x18: {  	[tilespmem:s3], [sflag:$0x1] =	stream.linear.gather [hbm4b:s1+s3], $0x2000, $0x38;
	[tilespmem:$0x16000] =	vst v63  }
0x19: {  	_ =	swait.ge [sflag:s7], $0x2000  }
0x1a: {  	[sflag:s7] =	ssyncset.done $0x0  }
0x1b: {  	s18 =	simm.s32 $0x0;
	[sflag:s7] =	ssyncadd.s32 $0xFFFFE000  }
.LBB2_2:
0x1c: {  	s19 =	sadd.s32 s6, s18  }
0x1d: {  	s19 =	sshll.u32 s19, $0xA  }
0x1e: {  	s21 =	simm.s32 $0x0;
	s20 =	sadd.s32 s4, s19  }
0x1f: {  	[tilespmem:s13], [sflag:$0x1] =	stream.linear.gather [hbm4b:s20+s21], $0x2000, $0x38;
	[tilespmem:$0x16000] =	vst v63  }
0x20: {  	s29 =	simm.s32 $0x0;
	_ =	swait.ge [sflag:s7], $0x2000  }
0x21: {  	s21 =	sand.u32 $0x180, s21;
	s20 =	sand.u32 $0x3FFFFE00, s29;
	[sflag:s7] =	ssyncset.done $0x0  }
0x22: {  	s20 =	sor.u32 s21, s20;
	[sflag:s7] =	ssyncadd.s32 $0xFFFFE000  }
0x23: {  	v10 =	vld [tilespmem:s20+$0x70]  }
0x24: {  	v11 =	vld [tilespmem:s20+$0x0]  }
0x25: {  	v12 =	vld [tilespmem:s20+$0x10]  }
0x26: {  	v13 =	vld [tilespmem:s20+$0x20]  }
0x27: {  	v15 =	vld [tilespmem:s20+$0x30]  }
0x28: {  	s22 =	simm.s32 $0x0;
	v17 =	vld [tilespmem:s20+$0x40]  }
0x29: {  	v14 =	vmov s22;
	v20 =	vld [tilespmem:s20+$0x50]  }
0x2a: {  	v16 =	vshll.u32 v14, $0x9;
	v21 =	vld [tilespmem:s20+$0x60];
	s20 =	simm.s32 $0x80  }
0x2b: {  	v14 =	vshll.u32 v14, $0x7;
	v16 =	vand.u32 $0x1000, v16;
	s31 =	sand.u32 $0x180, s20  }
0x2c: {  	s30 =	simm.s32 $0x80;
	v14 =	vand.u32 $0x380, v14;
	v22 =	vmov s21;
	v33 =	vmov s31  }
0x2d: {  	s21 =	sand.u32 $0x3FFFFE00, s30;
	v60 =	vshrl.u32 v33, $0x7;
	v18 =	vshll.u32 v10, $0x3;
	v19 =	vshll.u32 v11, $0x3  }
0x2e: {  	s21 =	sor.u32 s31, s21;
	v10 =	vand.u32 $0x7F, v10;
	v23 =	vshll.u32 v15, $0x3;
	v25 =	vshll.u32 v17, $0x3  }
0x2f: {  	v37 =	vld [tilespmem:s21+$0x10];
	v26 =	vshll.u32 v20, $0x3;
	v27 =	vshll.u32 v21, $0x3;
	v11 =	vand.u32 $0x7F, v11  }
0x30: {  	v15 =	vand.u32 $0x7F, v15;
	v17 =	vand.u32 $0x7F, v17;
	v18 =	vand.u32 $0xFFFFFC00, v18  }
0x31: {  	v20 =	vand.u32 $0x7F, v20;
	v19 =	vand.u32 $0xFFFFFC00, v19;
	v18 =	vadd.s32 v16, v18  }
0x32: {  	v19 =	vadd.s32 v16, v19;
	v10 =	vor.u32 v10, v18;
	v18 =	vshrl.u32 v22, $0x7  }
0x33: {  	v22 =	vshll.u32 v12, $0x3;
	v12 =	vand.u32 $0x7F, v12;
	v11 =	vor.u32 v11, v19  }
0x34: {  	v61 =	vshll.u32 v37, $0x3;
	v24 =	vor.u32 v14, v10;
	v10 =	vshll.u32 v18, $0xA  }
0x35: {  	v37 =	vand.u32 $0x7F, v37;
	v18 =	vshll.u32 v13, $0x3;
	v10 =	vor.u32 v10, v16  }
0x36: {  	v13 =	vand.u32 $0x7F, v13;
	v18 =	vand.u32 $0xFFFFFC00, v18;
	v10 =	vor.u32 v14, v10  }
0x37: {  	v19 =	vor.u32 v14, v11;
	v18 =	vadd.s32 v16, v18;
	v28 =	vbroadcast v10, $0x0  }
0x38: {  	v10 =	vand.u32 $0xFFFFFC00, v22;
	v22 =	vand.u32 $0xFFFFFC00, v23;
	v23 =	vand.u32 $0xFFFFFC00, v25  }
0x39: {  	v25 =	vand.u32 $0xFFFFFC00, v26;
	v26 =	vand.u32 $0xFFFFFC00, v27;
	v13 =	vor.u32 v13, v18  }
0x3a: {  	v10 =	vadd.s32 v16, v10;
	v22 =	vadd.s32 v16, v22;
	v23 =	vadd.s32 v16, v23  }
0x3b: {  	v25 =	vadd.s32 v16, v25;
	v16 =	vadd.s32 v16, v26;
	v27 =	vor.u32 v7, v28  }
0x3c: {  	v10 =	vor.u32 v12, v10;
	v12 =	vand.u32 $0x7F, v21;
	v15 =	vor.u32 v15, v22  }
0x3d: {  	v17 =	vor.u32 v17, v23;
	v11 =	vor.u32 v20, v25;
	v20 =	vld [tilespmem:s21+$0x70];
	v25 =	vor.u32 v14, v13  }
0x3e: {  	v31 =	vor.u32 v0, v28;
	v38 =	vor.u32 v1, v28;
	v13 =	vor.u32 v3, v28  }
0x3f: {  	v35 =	vld [tilespmem:s21+$0x0];
	v12 =	vor.u32 v12, v16;
	v22 =	vor.u32 v14, v10;
	v26 =	vor.u32 v14, v15  }
0x40: {  	s23 =	simm.s32 $0x0;
	v18 =	vld [tilespmem:s21+$0x40];
	v29 =	vor.u32 v14, v17;
	v30 =	vor.u32 v14, v11;
	v10 =	vor.u32 v5, v28  }
0x41: {  	v23 =	vld [tilespmem:s21+$0x50];
	v15 =	vmov s23;
	v11 =	vor.u32 v6, v28;
	v36 =	vor.u32 v14, v12  }
0x42: {  	v24 =	vld.idx.msk [tilespmem:v24+s13+$0x0], $0xffff;
	v14 =	vor.u32 v2, v28;
	v17 =	vshll.u32 v15, $0x9;
	v21 =	vshll.u32 v20, $0x3  }
0x43: {  	v16 =	vld [tilespmem:s21+$0x30];
	v12 =	vor.u32 v4, v28;
	v28 =	vand.u32 $0x1000, v17;
	v32 =	vand.u32 $0xFFFFFC00, v21  }
0x44: {  	v34 =	vld.idx.msk [tilespmem:v19+s13+$0x0], $0xffff;
	v15 =	vshll.u32 v15, $0x7;
	v20 =	vand.u32 $0x7F, v20;
	v32 =	vadd.s32 v28, v32  }
0x45: {  	v39 =	vld [tilespmem:s21+$0x20];
	v19 =	vshll.u32 v60, $0xA;
	v15 =	vand.u32 $0x380, v15;
	v20 =	vor.u32 v20, v32  }
0x46: {  	v17 =	vshll.u32 v35, $0x3;
	v19 =	vor.u32 v19, v28;
	v25 =	vld.idx.msk [tilespmem:v25+s13+$0x0], $0xffff;
	v40 =	vor.u32 v15, v20  }
0x47: {  	v43 =	vand.u32 $0xFFFFFC00, v17;
	v42 =	vshll.u32 v23, $0x3;
	v17 =	vor.u32 v15, v19;
	v21 =	vld [tilespmem:s21+$0x60]  }
0x48: {  	[tilespmem:v27+s14+$0x0] =	vst.idx.msk $0xffff, v24;
	v33 =	vadd.s32 v28, v43;
	v62 =	vshll.u32 v16, $0x3;
	v41 =	vld.idx.msk [tilespmem:v22+s13+$0x0], $0xffff;
	v22 =	vshll.u32 v18, $0x3  }
0x49: {  	[tilespmem:v31+s14+$0x0] =	vst.idx.msk $0xffff, v34;
	v19 =	vld.idx.msk [tilespmem:v26+s13+$0x0], $0xffff;
	v17 =	vbroadcast v17, $0x0;
	v26 =	vand.u32 $0xFFFFFC00, v61;
	v24 =	vand.u32 $0xFFFFFC00, v62  }
0x4a: {  	v42 =	vand.u32 $0xFFFFFC00, v42;
	v34 =	vadd.s32 v28, v26;
	v31 =	vadd.s32 v28, v24;
	v24 =	vld.idx.msk [tilespmem:v36+s13+$0x0], $0xffff  }
0x4b: {  	v27 =	vor.u32 v7, v17;
	v36 =	vand.u32 $0x7F, v35;
	v20 =	vshll.u32 v39, $0x3;
	v26 =	vld.idx.msk [tilespmem:v40+s13+$0x0], $0xffff  }
0x4c: {  	v45 =	vand.u32 $0xFFFFFC00, v20;
	v20 =	vld.idx.msk [tilespmem:v29+s13+$0x0], $0xffff;
	v29 =	vand.u32 $0xFFFFFC00, v22;
	v44 =	vshll.u32 v21, $0x3  }
0x4d: {  	v22 =	vld.idx.msk [tilespmem:v30+s13+$0x0], $0xffff;
	v32 =	vadd.s32 v28, v45;
	v30 =	vadd.s32 v28, v29;
	v63 =	vand.u32 $0xFFFFFC00, v44  }
0x4e: {  	s21 =	simm.s32 $0x8;
	v35 =	vand.u32 $0x7F, v39;
	v29 =	vadd.s32 v28, v42;
	[tilespmem:v38+s14+$0x0] =	vst.idx.msk $0xffff, v41;
	v28 =	vadd.s32 v28, v63  }
.LBB2_3:
0x4f: {  	s21 =	sadd.s32 $0x8, s21;
	v16 =	vand.u32 $0x7F, v16;
	v18 =	vand.u32 $0x7F, v18;
	v23 =	vand.u32 $0x7F, v23;
	[tilespmem:v14+s14+$0x0] =	vst.idx.msk $0xffff, v25  }
0x50: {  	v14 =	vor.u32 v36, v33;
	v25 =	vor.u32 v37, v34;
	v21 =	vand.u32 $0x7F, v21;
	s20 =	sadd.s32 $0x80, s20;
	s22 =	sshll.u32 s21, $0x4;
	p2 =	slt.u32 s21, $0x1F8;
	[tilespmem:v27+s14+$0x0] =	vst.idx.msk $0xffff, v26  }
0x51: {  	s23 =	sand.u32 $0x180, s20;
	v26 =	vor.u32 v35, v32;
	v16 =	vor.u32 v16, v31;
	v18 =	vor.u32 v18, v30;
	s22 =	sand.u32 $0x3FFFFE00, s22  }
0x52: {  	v27 =	vor.u32 v15, v14;
	v14 =	vor.u32 v23, v29;
	v21 =	vor.u32 v21, v28;
	s22 =	sor.u32 s23, s22  }
0x53: {  	v25 =	vor.u32 v15, v25;
	v26 =	vor.u32 v15, v26;
	v29 =	vor.u32 v15, v16;
	v28 =	vld [tilespmem:s22+$0x70]  }
0x54: {  	v30 =	vor.u32 v15, v18;
	v31 =	vor.u32 v15, v14;
	v32 =	vor.u32 v15, v21;
	v35 =	vld [tilespmem:s22+$0x0]  }
0x55: {  	v33 =	vor.u32 v0, v17;
	v38 =	vor.u32 v1, v17;
	v14 =	vor.u32 v2, v17;
	v37 =	vld [tilespmem:s22+$0x10]  }
0x56: {  	v34 =	vor.u32 v5, v17;
	s24 =	sshrl.u32 s21, $0x5;
	v15 =	vor.u32 v3, v17;
	v21 =	vor.u32 v4, v17;
	v39 =	vld [tilespmem:s22+$0x20]  }
0x57: {  	v36 =	vmov s24;
	v17 =	vor.u32 v6, v17;
	v16 =	vld [tilespmem:s22+$0x30];
	[tilespmem:v13+s14+$0x0] =	vst.idx.msk $0xffff, v19;
	v13 =	vmov v15  }
0x58: {  	v15 =	vshll.u32 v36, $0x9;
	v18 =	vld [tilespmem:s22+$0x40];
	v19 =	vshll.u32 v28, $0x3;
	[tilespmem:v12+s14+$0x0] =	vst.idx.msk $0xffff, v20;
	v12 =	vmov v21  }
0x59: {  	v40 =	vand.u32 $0x1000, v15;
	v20 =	vshll.u32 v35, $0x3;
	v23 =	vld [tilespmem:s22+$0x50];
	v15 =	vand.u32 $0xFFFFFC00, v19;
	[tilespmem:v10+s14+$0x0] =	vst.idx.msk $0xffff, v22;
	v10 =	vmovc v34  }
0x5a: {  	v19 =	vshll.u32 v36, $0x7;
	v22 =	vand.u32 $0x7F, v28;
	v21 =	vld [tilespmem:s22+$0x60];
	v28 =	vadd.s32 v40, v15;
	[tilespmem:v11+s14+$0x0] =	vst.idx.msk $0xffff, v24;
	v11 =	vmovc v17  }
0x5b: {  	v15 =	vand.u32 $0x380, v19;
	v17 =	vmov s23;
	v19 =	vor.u32 v22, v28;
	v24 =	vld.idx.msk [tilespmem:v27+s13+$0x0], $0xffff  }
0x5c: {  	v17 =	vshrl.u32 v17, $0x7;
	v22 =	vshll.u32 v37, $0x3;
	v27 =	vor.u32 v15, v19;
	v41 =	vld.idx.msk [tilespmem:v25+s13+$0x0], $0xffff  }
0x5d: {  	v28 =	vshll.u32 v39, $0x3;
	v17 =	vshll.u32 v17, $0xA;
	v34 =	vshll.u32 v16, $0x3;
	v25 =	vld.idx.msk [tilespmem:v26+s13+$0x0], $0xffff  }
0x5e: {  	v17 =	vor.u32 v17, v40;
	v26 =	vshll.u32 v18, $0x3;
	v36 =	vshll.u32 v23, $0x3;
	v19 =	vld.idx.msk [tilespmem:v29+s13+$0x0], $0xffff  }
0x5f: {  	v29 =	vand.u32 $0xFFFFFC00, v20;
	v17 =	vor.u32 v15, v17;
	v42 =	vshll.u32 v21, $0x3;
	v20 =	vld.idx.msk [tilespmem:v30+s13+$0x0], $0xffff  }
0x60: {  	v28 =	vand.u32 $0xFFFFFC00, v28;
	v17 =	vbroadcast v17, $0x0;
	v30 =	vand.u32 $0xFFFFFC00, v22;
	v22 =	vld.idx.msk [tilespmem:v31+s13+$0x0], $0xffff  }
.Ltmp2:
0x61: {  	v43 =	vand.u32 $0xFFFFFC00, v26;
	v36 =	vand.u32 $0xFFFFFC00, v36;
	v31 =	vand.u32 $0xFFFFFC00, v34;
	v26 =	vld.idx.msk [tilespmem:v27+s13+$0x0], $0xffff;
	[tilespmem:v33+s14+$0x0] =	vst.idx.msk $0xffff, v24;
	(pc) =	sbr.rel @p2 .LBB2_3-.Ltmp2, $4  }
0x62: {  	v42 =	vand.u32 $0xFFFFFC00, v42;
	v33 =	vadd.s32 v40, v29;
	v27 =	vor.u32 v7, v17;
	v24 =	vld.idx.msk [tilespmem:v32+s13+$0x0], $0xffff  }
0x63: {  	v34 =	vadd.s32 v40, v30;
	v31 =	vadd.s32 v40, v31;
	v32 =	vadd.s32 v40, v28  }
0x64: {  	v30 =	vadd.s32 v40, v43;
	v29 =	vadd.s32 v40, v36;
	v28 =	vadd.s32 v40, v42  }
0x65: {  	v37 =	vand.u32 $0x7F, v37;
	v36 =	vand.u32 $0x7F, v35;
	v35 =	vand.u32 $0x7F, v39;
	[tilespmem:v38+s14+$0x0] =	vst.idx.msk $0xffff, v41  }
0x66: {  	v33 =	vor.u32 v36, v33  }
0x67: {  	v34 =	vor.u32 v37, v34;
	v33 =	vor.u32 v15, v33  }
0x68: {  	v16 =	vand.u32 $0x7F, v16;
	v32 =	vor.u32 v35, v32;
	v34 =	vor.u32 v15, v34  }
0x69: {  	v18 =	vand.u32 $0x7F, v18;
	v16 =	vor.u32 v16, v31;
	v49 =	vor.u32 v15, v32  }
0x6a: {  	v23 =	vand.u32 $0x7F, v23;
	[tilespmem:v14+s14+$0x0] =	vst.idx.msk $0xffff, v25;
	v50 =	vor.u32 v18, v30;
	v16 =	vor.u32 v15, v16  }
0x6b: {  	v51 =	vand.u32 $0x7F, v21;
	[tilespmem:v27+s14+$0x0] =	vst.idx.msk $0xffff, v26;
	v52 =	vor.u32 v23, v29;
	v14 =	vor.u32 v15, v50  }
0x6c: {  	v53 =	vor.u32 v0, v17;
	v18 =	vor.u32 v51, v28;
	v21 =	vor.u32 v15, v52;
	v54 =	vld.idx.msk [tilespmem:v33+s13+$0x0], $0xffff  }
0x6d: {  	v56 =	vor.u32 v1, v17;
	[tilespmem:v13+s14+$0x0] =	vst.idx.msk $0xffff, v19;
	v55 =	vor.u32 v15, v18;
	v57 =	vld.idx.msk [tilespmem:v34+s13+$0x0], $0xffff  }
0x6e: {  	v58 =	vor.u32 v2, v17;
	[tilespmem:v12+s14+$0x0] =	vst.idx.msk $0xffff, v20;
	v59 =	vld.idx.msk [tilespmem:v49+s13+$0x0], $0xffff  }
0x6f: {  	v60 =	vor.u32 v3, v17;
	[tilespmem:v10+s14+$0x0] =	vst.idx.msk $0xffff, v22;
	v10 =	vld.idx.msk [tilespmem:v16+s13+$0x0], $0xffff  }
0x70: {  	v61 =	vor.u32 v4, v17;
	[tilespmem:v11+s14+$0x0] =	vst.idx.msk $0xffff, v24;
	v11 =	vld.idx.msk [tilespmem:v14+s13+$0x0], $0xffff  }
0x71: {  	v62 =	vor.u32 v5, v17;
	v21 =	vld.idx.msk [tilespmem:v21+s13+$0x0], $0xffff;
	[tilespmem:v53+s14+$0x0] =	vst.idx.msk $0xffff, v54  }
0x72: {  	v63 =	vor.u32 v6, v17;
	v15 =	vld.idx.msk [tilespmem:v55+s13+$0x0], $0xffff;
	[tilespmem:v56+s14+$0x0] =	vst.idx.msk $0xffff, v57  }
0x73: {  	[tilespmem:v58+s14+$0x0] =	vst.idx.msk $0xffff, v59  }
0x74: {  	[tilespmem:v60+s14+$0x0] =	vst.idx.msk $0xffff, v10  }
0x75: {  	s18 =	sadd.s32 $0x1, s18;
	[tilespmem:v61+s14+$0x0] =	vst.idx.msk $0xffff, v11  }
0x76: {  	p2 =	sne.s32 s18, $0x28;
	[tilespmem:v62+s14+$0x0] =	vst.idx.msk $0xffff, v21  }
.Ltmp3:
0x77: {  	s19 =	sadd.s32 s5, s19;
	[tilespmem:v63+s14+$0x0] =	vst.idx.msk $0xffff, v15;
	(pc) =	sbr.rel @p2 .LBB2_2-.Ltmp3, $4  }
0x78: {  	[hbm4b:s19+s3] =	stream.linear.scatter [tilespmem:s14], [sflag:$0x1], $0x2000, $0x38;
	[tilespmem:$0x16000] =	vst v63  }
0x79: {  	_ =	swait.ge [sflag:s7], $0x2000  }
0x7a: {  	[sflag:s7] =	ssyncset.done $0x0  }
0x7b: {  	[sflag:s7] =	ssyncadd.s32 $0xFFFFE000  }
.Ltmp4:
0x7c: {  	(pc) =	sbr.rel @p0 .LBB2_9-.Ltmp4, $1  }
0x7d: {  	_ =	sdelay $0x3  }
0x7e: {  	s18 =	simm.s32 $0x0  }
0x7f: {  	[tilespmem:s15], [sflag:$0x1] =	stream.linear.gather [hbm4b:s8+s18], $0x8000, $0x38;
	[tilespmem:$0x16000] =	vst v63  }
0x80: {  	_ =	swait.ge [sflag:s7], $0x8000  }
0x81: {  	[sflag:s7] =	ssyncset.done $0x0  }
0x82: {  	s18 =	sand.u32 $0x180, s18;
	[sflag:s7] =	ssyncadd.s32 $0xFFFF8000  }
0x83: {  	v10 =	vld.idx.msk [tilespmem:v8+s18+$0x70 ss:$0x1], $0xffff  }
0x84: {  	v11 =	vld.idx.msk [tilespmem:v8+s18+$0x0 ss:$0x1], $0xffff  }
0x85: {  	v12 =	vld.idx.msk [tilespmem:v8+s18+$0x10 ss:$0x1], $0xffff  }
0x86: {  	v13 =	vld.idx.msk [tilespmem:v8+s18+$0x20 ss:$0x1], $0xffff  }
0x87: {  	v15 =	vld.idx.msk [tilespmem:v8+s18+$0x30 ss:$0x1], $0xffff  }
0x88: {  	v17 =	vld.idx.msk [tilespmem:v8+s18+$0x40 ss:$0x1], $0xffff  }
0x89: {  	s19 =	simm.s32 $0x0;
	s30 =	simm.s32 $0x80;
	v19 =	vld.idx.msk [tilespmem:v8+s18+$0x50 ss:$0x1], $0xffff  }
0x8a: {  	v14 =	vmov s19;
	v22 =	vmov s18;
	v21 =	vld.idx.msk [tilespmem:v8+s18+$0x60 ss:$0x1], $0xffff;
	s18 =	sand.u32 $0x180, s30  }
0x8b: {  	v16 =	vshll.u32 v14, $0x9;
	v14 =	vshll.u32 v14, $0x7;
	v38 =	vmov s18  }
0x8c: {  	v16 =	vand.u32 $0x7000, v16;
	v14 =	vand.u32 $0x380, v14;
	v56 =	vshrl.u32 v38, $0x7  }
0x8d: {  	v18 =	vshll.u32 v10, $0x3;
	v20 =	vshll.u32 v11, $0x3;
	v10 =	vand.u32 $0x7F, v10  }
0x8e: {  	v31 =	vld.idx.msk [tilespmem:v8+s18+$0x30 ss:$0x1], $0xffff;
	v23 =	vshll.u32 v13, $0x3;
	v24 =	vshll.u32 v15, $0x3;
	v25 =	vshll.u32 v17, $0x3  }
0x8f: {  	v33 =	vld.idx.msk [tilespmem:v8+s18+$0x40 ss:$0x1], $0xffff;
	v26 =	vshll.u32 v19, $0x3;
	v27 =	vshll.u32 v21, $0x3;
	v11 =	vand.u32 $0x7F, v11  }
0x90: {  	v13 =	vand.u32 $0x7F, v13;
	v15 =	vand.u32 $0x7F, v15;
	v17 =	vand.u32 $0x7F, v17  }
0x91: {  	v19 =	vand.u32 $0x7F, v19;
	v18 =	vand.u32 $0xFFFFFC00, v18;
	v20 =	vand.u32 $0xFFFFFC00, v20  }
0x92: {  	v23 =	vand.u32 $0xFFFFFC00, v23;
	v24 =	vand.u32 $0xFFFFFC00, v24;
	v25 =	vand.u32 $0xFFFFFC00, v25  }
0x93: {  	v26 =	vand.u32 $0xFFFFFC00, v26;
	v27 =	vand.u32 $0xFFFFFC00, v27;
	v40 =	vshll.u32 v31, $0x3  }
0x94: {  	v41 =	vshll.u32 v33, $0x3;
	v18 =	vadd.s32 v16, v18;
	v20 =	vadd.s32 v16, v20  }
0x95: {  	v23 =	vadd.s32 v16, v23;
	v24 =	vadd.s32 v16, v24;
	v25 =	vadd.s32 v16, v25  }
0x96: {  	v26 =	vadd.s32 v16, v26;
	v10 =	vor.u32 v10, v18;
	v18 =	vshrl.u32 v22, $0x7  }
0x97: {  	v22 =	vshll.u32 v12, $0x3;
	v10 =	vor.u32 v14, v10;
	v18 =	vshll.u32 v18, $0xA  }
0x98: {  	v12 =	vand.u32 $0x7F, v12;
	v11 =	vor.u32 v11, v20;
	v18 =	vor.u32 v18, v16  }
0x99: {  	v20 =	vand.u32 $0x7F, v21;
	v22 =	vand.u32 $0xFFFFFC00, v22;
	v18 =	vor.u32 v14, v18  }
0x9a: {  	v13 =	vor.u32 v13, v23;
	v22 =	vadd.s32 v16, v22;
	v18 =	vbroadcast v18, $0x0  }
0x9b: {  	v13 =	vor.u32 v14, v13;
	v16 =	vadd.s32 v16, v27;
	v12 =	vor.u32 v12, v22  }
0x9c: {  	v16 =	vor.u32 v20, v16;
	v28 =	vor.u32 v7, v18;
	v21 =	vld.idx.msk [tilespmem:v10+s15+$0x0], $0xffff;
	v10 =	vor.u32 v15, v24  }
0x9d: {  	v22 =	vld.idx.msk [tilespmem:v8+s18+$0x70 ss:$0x1], $0xffff;
	v15 =	vor.u32 v17, v25;
	v17 =	vor.u32 v14, v11;
	v11 =	vor.u32 v19, v26  }
0x9e: {  	v35 =	vld.idx.msk [tilespmem:v8+s18+$0x50 ss:$0x1], $0xffff;
	v19 =	vor.u32 v14, v12;
	v26 =	vor.u32 v14, v16;
	v16 =	vor.u32 v1, v18  }
0x9f: {  	s31 =	simm.s32 $0x0;
	v29 =	vor.u32 v2, v18;
	v30 =	vor.u32 v3, v18;
	v32 =	vor.u32 v4, v18  }
0xa0: {  	v12 =	vmov s31;
	v20 =	vor.u32 v14, v10;
	v15 =	vor.u32 v14, v15  }
0xa1: {  	v23 =	vld.idx.msk [tilespmem:v8+s18+$0x0 ss:$0x1], $0xffff;
	v25 =	vor.u32 v14, v11;
	v14 =	vor.u32 v0, v18;
	v10 =	vor.u32 v5, v18  }
0xa2: {  	v27 =	vld.idx.msk [tilespmem:v8+s18+$0x20 ss:$0x1], $0xffff;
	v11 =	vor.u32 v6, v18;
	v18 =	vshll.u32 v12, $0x9;
	v34 =	vshll.u32 v22, $0x3  }
0xa3: {  	v42 =	vshll.u32 v35, $0x3;
	v24 =	vld.idx.msk [tilespmem:v8+s18+$0x10 ss:$0x1], $0xffff;
	v36 =	vand.u32 $0x7000, v18;
	v34 =	vand.u32 $0xFFFFFC00, v34  }
0xa4: {  	v37 =	vld.idx.msk [tilespmem:v8+s18+$0x60 ss:$0x1], $0xffff;
	v12 =	vshll.u32 v12, $0x7;
	v22 =	vand.u32 $0x7F, v22;
	v34 =	vadd.s32 v36, v34  }
0xa5: {  	v39 =	vld.idx.msk [tilespmem:v13+s15+$0x0], $0xffff;
	v13 =	vshll.u32 v56, $0xA;
	v12 =	vand.u32 $0x380, v12;
	v22 =	vor.u32 v22, v34  }
0xa6: {  	v18 =	vshll.u32 v23, $0x3;
	v13 =	vor.u32 v13, v36;
	v17 =	vld.idx.msk [tilespmem:v17+s15+$0x0], $0xffff;
	v22 =	vor.u32 v12, v22  }
0xa7: {  	v59 =	vand.u32 $0xFFFFFC00, v42;
	v18 =	vand.u32 $0xFFFFFC00, v18;
	v13 =	vor.u32 v12, v13;
	v19 =	vld.idx.msk [tilespmem:v19+s15+$0x0], $0xffff  }
0xa8: {  	v58 =	vshll.u32 v27, $0x3;
	v61 =	vadd.s32 v36, v18;
	v57 =	vshll.u32 v24, $0x3;
	[tilespmem:v28+s16+$0x0] =	vst.idx.msk $0xffff, v21;
	v21 =	vld.idx.msk [tilespmem:v20+s15+$0x0], $0xffff  }
0xa9: {  	v13 =	vbroadcast v13, $0x0;
	v34 =	vand.u32 $0xFFFFFC00, v58;
	v28 =	vld.idx.msk [tilespmem:v15+s15+$0x0], $0xffff;
	v15 =	vand.u32 $0xFFFFFC00, v57  }
0xaa: {  	[tilespmem:v29+s16+$0x0] =	vst.idx.msk $0xffff, v39;
	v63 =	vand.u32 $0x7F, v24;
	v20 =	vshll.u32 v37, $0x3;
	v29 =	vadd.s32 v36, v15;
	v15 =	vld.idx.msk [tilespmem:v26+s15+$0x0], $0xffff  }
0xab: {  	v62 =	vor.u32 v7, v13;
	v26 =	vor.u32 v63, v29;
	[tilespmem:v14+s16+$0x0] =	vst.idx.msk $0xffff, v17;
	v60 =	vld.idx.msk [tilespmem:v22+s15+$0x0], $0xffff  }
0xac: {  	v14 =	vand.u32 $0xFFFFFC00, v40;
	v17 =	vand.u32 $0xFFFFFC00, v41;
	[tilespmem:v16+s16+$0x0] =	vst.idx.msk $0xffff, v19;
	v16 =	vand.u32 $0xFFFFFC00, v20  }
0xad: {  	v20 =	vadd.s32 v36, v34;
	v18 =	vadd.s32 v36, v14;
	v19 =	vadd.s32 v36, v17  }
0xae: {  	v24 =	vand.u32 $0x7F, v31;
	v17 =	vadd.s32 v36, v59;
	v16 =	vadd.s32 v36, v16;
	[tilespmem:v30+s16+$0x0] =	vst.idx.msk $0xffff, v21  }
0xaf: {  	v14 =	vld.idx.msk [tilespmem:v25+s15+$0x0], $0xffff;
	v25 =	vand.u32 $0x7F, v23;
	v22 =	vand.u32 $0x7F, v27;
	v23 =	vand.u32 $0x7F, v33;
	[tilespmem:v32+s16+$0x0] =	vst.idx.msk $0xffff, v28  }
0xb0: {  	s19 =	simm.s32 $0x100;
	s18 =	simm.s32 $0x8;
	v21 =	vand.u32 $0x7F, v35;
	v27 =	vor.u32 v25, v61;
	v25 =	vand.u32 $0x7F, v37;
	[tilespmem:v62+s16+$0x0] =	vst.idx.msk $0xffff, v60  }
.LBB2_7:
0xb1: {  	s20 =	sand.u32 $0x180, s19;
	v20 =	vor.u32 v22, v20;
	v18 =	vor.u32 v24, v18;
	v19 =	vor.u32 v23, v19  }
0xb2: {  	v23 =	vor.u32 v12, v27;
	v17 =	vor.u32 v21, v17;
	v16 =	vor.u32 v25, v16;
	v22 =	vld.idx.msk [tilespmem:v8+s20+$0x70 ss:$0x1], $0xffff  }
0xb3: {  	v24 =	vor.u32 v12, v26;
	v20 =	vor.u32 v12, v20;
	v18 =	vor.u32 v12, v18;
	v21 =	vld.idx.msk [tilespmem:v8+s20+$0x0 ss:$0x1], $0xffff  }
0xb4: {  	v19 =	vor.u32 v12, v19;
	v17 =	vor.u32 v12, v17;
	v16 =	vor.u32 v12, v16;
	v25 =	vld.idx.msk [tilespmem:v8+s20+$0x10 ss:$0x1], $0xffff  }
0xb5: {  	s18 =	sadd.s32 $0x8, s18;
	v27 =	vor.u32 v0, v13;
	v28 =	vor.u32 v1, v13;
	v29 =	vor.u32 v2, v13;
	v26 =	vld.idx.msk [tilespmem:v8+s20+$0x20 ss:$0x1], $0xffff  }
0xb6: {  	v31 =	vor.u32 v3, v13;
	v32 =	vor.u32 v4, v13;
	s21 =	sshrl.u32 s18, $0x5;
	p2 =	slt.u32 s18, $0x7F8;
	v12 =	vor.u32 v5, v13;
	v30 =	vld.idx.msk [tilespmem:v8+s20+$0x30 ss:$0x1], $0xffff  }
0xb7: {  	v13 =	vor.u32 v6, v13;
	v33 =	vmov s21;
	v34 =	vld.idx.msk [tilespmem:v8+s20+$0x40 ss:$0x1], $0xffff;
	[tilespmem:v10+s16+$0x0] =	vst.idx.msk $0xffff, v14;
	v10 =	vmov v12  }
0xb8: {  	v12 =	vshll.u32 v33, $0x9;
	v14 =	vshll.u32 v22, $0x3;
	v35 =	vld.idx.msk [tilespmem:v8+s20+$0x50 ss:$0x1], $0xffff;
	[tilespmem:v11+s16+$0x0] =	vst.idx.msk $0xffff, v15;
	v11 =	vmov v13  }
0xb9: {  	v36 =	vand.u32 $0x7000, v12;
	v13 =	vshll.u32 v21, $0x3;
	v12 =	vand.u32 $0xFFFFFC00, v14;
	v37 =	vld.idx.msk [tilespmem:v8+s20+$0x60 ss:$0x1], $0xffff  }
0xba: {  	v14 =	vshll.u32 v33, $0x7;
	v15 =	vand.u32 $0x7F, v22;
	v22 =	vadd.s32 v36, v12;
	v23 =	vld.idx.msk [tilespmem:v23+s15+$0x0], $0xffff  }
0xbb: {  	v12 =	vand.u32 $0x380, v14;
	v14 =	vmov s20;
	v15 =	vor.u32 v15, v22;
	v22 =	vld.idx.msk [tilespmem:v24+s15+$0x0], $0xffff  }
0xbc: {  	v14 =	vshrl.u32 v14, $0x7;
	v24 =	vshll.u32 v25, $0x3;
	v33 =	vor.u32 v12, v15;
	v20 =	vld.idx.msk [tilespmem:v20+s15+$0x0], $0xffff  }
0xbd: {  	v14 =	vshll.u32 v14, $0xA;
	v15 =	vshll.u32 v26, $0x3;
	v38 =	vshll.u32 v30, $0x3;
	v39 =	vld.idx.msk [tilespmem:v18+s15+$0x0], $0xffff  }
0xbe: {  	v14 =	vor.u32 v14, v36;
	v18 =	vshll.u32 v34, $0x3;
	v40 =	vshll.u32 v35, $0x3;
	v41 =	vld.idx.msk [tilespmem:v19+s15+$0x0], $0xffff  }
0xbf: {  	v19 =	vand.u32 $0xFFFFFC00, v13;
	v13 =	vor.u32 v12, v14;
	v42 =	vshll.u32 v37, $0x3;
	v14 =	vld.idx.msk [tilespmem:v17+s15+$0x0], $0xffff  }
0xc0: {  	v13 =	vbroadcast v13, $0x0;
	v17 =	vand.u32 $0xFFFFFC00, v24;
	v24 =	vand.u32 $0xFFFFFC00, v15;
	[tilespmem:v27+s16+$0x0] =	vst.idx.msk $0xffff, v23;
	v15 =	vld.idx.msk [tilespmem:v16+s15+$0x0], $0xffff  }
0xc1: {  	v16 =	vand.u32 $0xFFFFFC00, v38;
	v23 =	vand.u32 $0xFFFFFC00, v18;
	v27 =	vand.u32 $0xFFFFFC00, v40;
	v33 =	vld.idx.msk [tilespmem:v33+s15+$0x0], $0xffff;
	[tilespmem:v28+s16+$0x0] =	vst.idx.msk $0xffff, v22  }
0xc2: {  	v28 =	vadd.s32 v36, v19;
	v22 =	vand.u32 $0xFFFFFC00, v42;
	v38 =	vor.u32 v7, v13;
	[tilespmem:v29+s16+$0x0] =	vst.idx.msk $0xffff, v20  }
.Ltmp5:
0xc3: {  	v18 =	vadd.s32 v36, v16;
	v29 =	vadd.s32 v36, v17;
	v20 =	vadd.s32 v36, v24;
	(pc) =	sbr.rel @p2 .LBB2_7-.Ltmp5, $4  }
0xc4: {  	v19 =	vadd.s32 v36, v23;
	v17 =	vadd.s32 v36, v27;
	v16 =	vadd.s32 v36, v22  }
0xc5: {  	v25 =	vand.u32 $0x7F, v25;
	v27 =	vand.u32 $0x7F, v21;
	v22 =	vand.u32 $0x7F, v26;
	[tilespmem:v31+s16+$0x0] =	vst.idx.msk $0xffff, v39  }
0xc6: {  	v23 =	vand.u32 $0x7F, v34;
	v24 =	vand.u32 $0x7F, v30;
	v21 =	vand.u32 $0x7F, v35;
	[tilespmem:v32+s16+$0x0] =	vst.idx.msk $0xffff, v41  }
0xc7: {  	s19 =	sadd.s32 $0x80, s19;
	v27 =	vor.u32 v27, v28;
	v26 =	vor.u32 v25, v29;
	v25 =	vand.u32 $0x7F, v37;
	[tilespmem:v38+s16+$0x0] =	vst.idx.msk $0xffff, v33  }
0xc8: {  	v27 =	vor.u32 v12, v27  }
0xc9: {  	v20 =	vor.u32 v22, v20;
	v54 =	vor.u32 v12, v26  }
0xca: {  	v18 =	vor.u32 v24, v18;
	v20 =	vor.u32 v12, v20  }
0xcb: {  	v19 =	vor.u32 v23, v19;
	v18 =	vor.u32 v12, v18  }
0xcc: {  	v17 =	vor.u32 v21, v17;
	v19 =	vor.u32 v12, v19  }
0xcd: {  	v16 =	vor.u32 v25, v16;
	v55 =	vor.u32 v0, v13;
	v17 =	vor.u32 v12, v17;
	v56 =	vld.idx.msk [tilespmem:v27+s15+$0x0], $0xffff  }
0xce: {  	v58 =	vor.u32 v1, v13;
	v57 =	vor.u32 v12, v16;
	v22 =	vld.idx.msk [tilespmem:v54+s15+$0x0], $0xffff  }
0xcf: {  	v59 =	vor.u32 v2, v13;
	v20 =	vld.idx.msk [tilespmem:v20+s15+$0x0], $0xffff  }
0xd0: {  	v60 =	vor.u32 v3, v13;
	[tilespmem:v10+s16+$0x0] =	vst.idx.msk $0xffff, v14;
	v10 =	vld.idx.msk [tilespmem:v18+s15+$0x0], $0xffff  }
0xd1: {  	v61 =	vor.u32 v4, v13;
	[tilespmem:v11+s16+$0x0] =	vst.idx.msk $0xffff, v15;
	v11 =	vld.idx.msk [tilespmem:v19+s15+$0x0], $0xffff  }
0xd2: {  	v62 =	vor.u32 v5, v13;
	v17 =	vld.idx.msk [tilespmem:v17+s15+$0x0], $0xffff;
	[tilespmem:v55+s16+$0x0] =	vst.idx.msk $0xffff, v56  }
0xd3: {  	v63 =	vor.u32 v6, v13;
	v12 =	vld.idx.msk [tilespmem:v57+s15+$0x0], $0xffff;
	[tilespmem:v58+s16+$0x0] =	vst.idx.msk $0xffff, v22  }
0xd4: {  	[tilespmem:v59+s16+$0x0] =	vst.idx.msk $0xffff, v20  }
0xd5: {  	[tilespmem:v60+s16+$0x0] =	vst.idx.msk $0xffff, v10  }
0xd6: {  	[tilespmem:v61+s16+$0x0] =	vst.idx.msk $0xffff, v11  }
0xd7: {  	[tilespmem:v62+s16+$0x0] =	vst.idx.msk $0xffff, v17  }
.Ltmp6:
0xd8: {  	[tilespmem:v63+s16+$0x0] =	vst.idx.msk $0xffff, v12;
	(pc) =	sbr.rel @p1 .LBB2_12-.Ltmp6, $4  }
0xd9: {  	[hbm4b:s9+s3] =	stream.linear.scatter [tilespmem:s16], [sflag:$0x1], $0x8000, $0x38;
	[tilespmem:$0x16000] =	vst v63  }
0xda: {  	_ =	swait.ge [sflag:s7], $0x8000  }
0xdb: {  	[sflag:s7] =	ssyncset.done $0x0  }
0xdc: {  	[sflag:s7] =	ssyncadd.s32 $0xFFFF8000  }
.LBB2_9:
0xdd: {  	s18 =	simm.s32 $0x0  }
0xde: {  	[tilespmem:s15], [sflag:$0x1] =	stream.linear.gather [hbm4b:s10+s18], $0x8000, $0x38;
	[tilespmem:$0x16000] =	vst v63  }
0xdf: {  	_ =	swait.ge [sflag:s7], $0x8000  }
0xe0: {  	[sflag:s7] =	ssyncset.done $0x0  }
0xe1: {  	s18 =	sand.u32 $0x180, s18;
	[sflag:s7] =	ssyncadd.s32 $0xFFFF8000  }
0xe2: {  	v10 =	vld.idx.msk [tilespmem:v9+s18+$0x70 ss:$0x1], $0xffff  }
0xe3: {  	v11 =	vld.idx.msk [tilespmem:v9+s18+$0x0 ss:$0x1], $0xffff  }
0xe4: {  	v12 =	vld.idx.msk [tilespmem:v9+s18+$0x10 ss:$0x1], $0xffff  }
0xe5: {  	v13 =	vld.idx.msk [tilespmem:v9+s18+$0x20 ss:$0x1], $0xffff  }
0xe6: {  	v15 =	vld.idx.msk [tilespmem:v9+s18+$0x30 ss:$0x1], $0xffff  }
0xe7: {  	v17 =	vld.idx.msk [tilespmem:v9+s18+$0x40 ss:$0x1], $0xffff  }
0xe8: {  	s19 =	simm.s32 $0x0;
	s30 =	simm.s32 $0x80;
	v19 =	vld.idx.msk [tilespmem:v9+s18+$0x50 ss:$0x1], $0xffff  }
0xe9: {  	v14 =	vmov s19;
	v22 =	vmov s18;
	v21 =	vld.idx.msk [tilespmem:v9+s18+$0x60 ss:$0x1], $0xffff;
	s18 =	sand.u32 $0x180, s30  }
0xea: {  	v16 =	vshll.u32 v14, $0x9;
	v14 =	vshll.u32 v14, $0x7;
	v38 =	vmov s18  }
0xeb: {  	v16 =	vand.u32 $0x7000, v16;
	v14 =	vand.u32 $0x380, v14;
	v56 =	vshrl.u32 v38, $0x7  }
0xec: {  	v18 =	vshll.u32 v10, $0x3;
	v20 =	vshll.u32 v11, $0x3;
	v10 =	vand.u32 $0x7F, v10  }
0xed: {  	v31 =	vld.idx.msk [tilespmem:v9+s18+$0x30 ss:$0x1], $0xffff;
	v23 =	vshll.u32 v13, $0x3;
	v24 =	vshll.u32 v15, $0x3;
	v25 =	vshll.u32 v17, $0x3  }
0xee: {  	v33 =	vld.idx.msk [tilespmem:v9+s18+$0x40 ss:$0x1], $0xffff;
	v26 =	vshll.u32 v19, $0x3;
	v27 =	vshll.u32 v21, $0x3;
	v11 =	vand.u32 $0x7F, v11  }
0xef: {  	v13 =	vand.u32 $0x7F, v13;
	v15 =	vand.u32 $0x7F, v15;
	v17 =	vand.u32 $0x7F, v17  }
0xf0: {  	v19 =	vand.u32 $0x7F, v19;
	v18 =	vand.u32 $0xFFFFFC00, v18;
	v20 =	vand.u32 $0xFFFFFC00, v20  }
0xf1: {  	v23 =	vand.u32 $0xFFFFFC00, v23;
	v24 =	vand.u32 $0xFFFFFC00, v24;
	v25 =	vand.u32 $0xFFFFFC00, v25  }
0xf2: {  	v26 =	vand.u32 $0xFFFFFC00, v26;
	v27 =	vand.u32 $0xFFFFFC00, v27;
	v40 =	vshll.u32 v31, $0x3  }
0xf3: {  	v41 =	vshll.u32 v33, $0x3;
	v18 =	vadd.s32 v16, v18;
	v20 =	vadd.s32 v16, v20  }
0xf4: {  	v23 =	vadd.s32 v16, v23;
	v24 =	vadd.s32 v16, v24;
	v25 =	vadd.s32 v16, v25  }
0xf5: {  	v26 =	vadd.s32 v16, v26;
	v10 =	vor.u32 v10, v18;
	v18 =	vshrl.u32 v22, $0x7  }
0xf6: {  	v22 =	vshll.u32 v12, $0x3;
	v10 =	vor.u32 v14, v10;
	v18 =	vshll.u32 v18, $0xA  }
0xf7: {  	v12 =	vand.u32 $0x7F, v12;
	v11 =	vor.u32 v11, v20;
	v18 =	vor.u32 v18, v16  }
0xf8: {  	v20 =	vand.u32 $0x7F, v21;
	v22 =	vand.u32 $0xFFFFFC00, v22;
	v18 =	vor.u32 v14, v18  }
0xf9: {  	v13 =	vor.u32 v13, v23;
	v22 =	vadd.s32 v16, v22;
	v18 =	vbroadcast v18, $0x0  }
0xfa: {  	v13 =	vor.u32 v14, v13;
	v16 =	vadd.s32 v16, v27;
	v12 =	vor.u32 v12, v22  }
0xfb: {  	v16 =	vor.u32 v20, v16;
	v28 =	vor.u32 v7, v18;
	v21 =	vld.idx.msk [tilespmem:v10+s15+$0x0], $0xffff;
	v10 =	vor.u32 v15, v24  }
0xfc: {  	v22 =	vld.idx.msk [tilespmem:v9+s18+$0x70 ss:$0x1], $0xffff;
	v15 =	vor.u32 v17, v25;
	v17 =	vor.u32 v14, v11;
	v11 =	vor.u32 v19, v26  }
0xfd: {  	v35 =	vld.idx.msk [tilespmem:v9+s18+$0x50 ss:$0x1], $0xffff;
	v19 =	vor.u32 v14, v12;
	v26 =	vor.u32 v14, v16;
	v16 =	vor.u32 v1, v18  }
0xfe: {  	s31 =	simm.s32 $0x0;
	v29 =	vor.u32 v2, v18;
	v30 =	vor.u32 v3, v18;
	v32 =	vor.u32 v4, v18  }
0xff: {  	v12 =	vmov s31;
	v20 =	vor.u32 v14, v10;
	v15 =	vor.u32 v14, v15  }
0x100: {  	v23 =	vld.idx.msk [tilespmem:v9+s18+$0x0 ss:$0x1], $0xffff;
	v25 =	vor.u32 v14, v11;
	v14 =	vor.u32 v0, v18;
	v10 =	vor.u32 v5, v18  }
0x101: {  	v27 =	vld.idx.msk [tilespmem:v9+s18+$0x20 ss:$0x1], $0xffff;
	v11 =	vor.u32 v6, v18;
	v18 =	vshll.u32 v12, $0x9;
	v34 =	vshll.u32 v22, $0x3  }
0x102: {  	v42 =	vshll.u32 v35, $0x3;
	v24 =	vld.idx.msk [tilespmem:v9+s18+$0x10 ss:$0x1], $0xffff;
	v36 =	vand.u32 $0x7000, v18;
	v34 =	vand.u32 $0xFFFFFC00, v34  }
0x103: {  	v37 =	vld.idx.msk [tilespmem:v9+s18+$0x60 ss:$0x1], $0xffff;
	v12 =	vshll.u32 v12, $0x7;
	v22 =	vand.u32 $0x7F, v22;
	v34 =	vadd.s32 v36, v34  }
0x104: {  	v39 =	vld.idx.msk [tilespmem:v13+s15+$0x0], $0xffff;
	v13 =	vshll.u32 v56, $0xA;
	v12 =	vand.u32 $0x380, v12;
	v22 =	vor.u32 v22, v34  }
0x105: {  	v18 =	vshll.u32 v23, $0x3;
	v13 =	vor.u32 v13, v36;
	v17 =	vld.idx.msk [tilespmem:v17+s15+$0x0], $0xffff;
	v22 =	vor.u32 v12, v22  }
0x106: {  	v59 =	vand.u32 $0xFFFFFC00, v42;
	v18 =	vand.u32 $0xFFFFFC00, v18;
	v13 =	vor.u32 v12, v13;
	v19 =	vld.idx.msk [tilespmem:v19+s15+$0x0], $0xffff  }
0x107: {  	v58 =	vshll.u32 v27, $0x3;
	v61 =	vadd.s32 v36, v18;
	v57 =	vshll.u32 v24, $0x3;
	[tilespmem:v28+s16+$0x0] =	vst.idx.msk $0xffff, v21;
	v21 =	vld.idx.msk [tilespmem:v20+s15+$0x0], $0xffff  }
0x108: {  	v13 =	vbroadcast v13, $0x0;
	v34 =	vand.u32 $0xFFFFFC00, v58;
	v28 =	vld.idx.msk [tilespmem:v15+s15+$0x0], $0xffff;
	v15 =	vand.u32 $0xFFFFFC00, v57  }
0x109: {  	[tilespmem:v29+s16+$0x0] =	vst.idx.msk $0xffff, v39;
	v63 =	vand.u32 $0x7F, v24;
	v20 =	vshll.u32 v37, $0x3;
	v29 =	vadd.s32 v36, v15;
	v15 =	vld.idx.msk [tilespmem:v26+s15+$0x0], $0xffff  }
0x10a: {  	v62 =	vor.u32 v7, v13;
	v26 =	vor.u32 v63, v29;
	[tilespmem:v14+s16+$0x0] =	vst.idx.msk $0xffff, v17;
	v60 =	vld.idx.msk [tilespmem:v22+s15+$0x0], $0xffff  }
0x10b: {  	v14 =	vand.u32 $0xFFFFFC00, v40;
	v17 =	vand.u32 $0xFFFFFC00, v41;
	[tilespmem:v16+s16+$0x0] =	vst.idx.msk $0xffff, v19;
	v16 =	vand.u32 $0xFFFFFC00, v20  }
0x10c: {  	v20 =	vadd.s32 v36, v34;
	v18 =	vadd.s32 v36, v14;
	v19 =	vadd.s32 v36, v17  }
0x10d: {  	v24 =	vand.u32 $0x7F, v31;
	v17 =	vadd.s32 v36, v59;
	v16 =	vadd.s32 v36, v16;
	[tilespmem:v30+s16+$0x0] =	vst.idx.msk $0xffff, v21  }
0x10e: {  	v14 =	vld.idx.msk [tilespmem:v25+s15+$0x0], $0xffff;
	v25 =	vand.u32 $0x7F, v23;
	v22 =	vand.u32 $0x7F, v27;
	v23 =	vand.u32 $0x7F, v33;
	[tilespmem:v32+s16+$0x0] =	vst.idx.msk $0xffff, v28  }
0x10f: {  	s19 =	simm.s32 $0x100;
	s18 =	simm.s32 $0x8;
	v21 =	vand.u32 $0x7F, v35;
	v27 =	vor.u32 v25, v61;
	v25 =	vand.u32 $0x7F, v37;
	[tilespmem:v62+s16+$0x0] =	vst.idx.msk $0xffff, v60  }
.LBB2_10:
0x110: {  	s20 =	sand.u32 $0x180, s19;
	v20 =	vor.u32 v22, v20;
	v18 =	vor.u32 v24, v18;
	v19 =	vor.u32 v23, v19  }
0x111: {  	v23 =	vor.u32 v12, v27;
	v17 =	vor.u32 v21, v17;
	v16 =	vor.u32 v25, v16;
	v22 =	vld.idx.msk [tilespmem:v9+s20+$0x70 ss:$0x1], $0xffff  }
0x112: {  	v24 =	vor.u32 v12, v26;
	v20 =	vor.u32 v12, v20;
	v18 =	vor.u32 v12, v18;
	v21 =	vld.idx.msk [tilespmem:v9+s20+$0x0 ss:$0x1], $0xffff  }
0x113: {  	v19 =	vor.u32 v12, v19;
	v17 =	vor.u32 v12, v17;
	v16 =	vor.u32 v12, v16;
	v25 =	vld.idx.msk [tilespmem:v9+s20+$0x10 ss:$0x1], $0xffff  }
0x114: {  	s18 =	sadd.s32 $0x8, s18;
	v27 =	vor.u32 v0, v13;
	v28 =	vor.u32 v1, v13;
	v29 =	vor.u32 v2, v13;
	v26 =	vld.idx.msk [tilespmem:v9+s20+$0x20 ss:$0x1], $0xffff  }
0x115: {  	v31 =	vor.u32 v3, v13;
	v32 =	vor.u32 v4, v13;
	s21 =	sshrl.u32 s18, $0x5;
	p2 =	slt.u32 s18, $0x7F8;
	v12 =	vor.u32 v5, v13;
	v30 =	vld.idx.msk [tilespmem:v9+s20+$0x30 ss:$0x1], $0xffff  }
0x116: {  	v13 =	vor.u32 v6, v13;
	v33 =	vmov s21;
	v34 =	vld.idx.msk [tilespmem:v9+s20+$0x40 ss:$0x1], $0xffff;
	[tilespmem:v10+s16+$0x0] =	vst.idx.msk $0xffff, v14;
	v10 =	vmov v12  }
0x117: {  	v12 =	vshll.u32 v33, $0x9;
	v14 =	vshll.u32 v22, $0x3;
	v35 =	vld.idx.msk [tilespmem:v9+s20+$0x50 ss:$0x1], $0xffff;
	[tilespmem:v11+s16+$0x0] =	vst.idx.msk $0xffff, v15;
	v11 =	vmov v13  }
0x118: {  	v36 =	vand.u32 $0x7000, v12;
	v13 =	vshll.u32 v21, $0x3;
	v12 =	vand.u32 $0xFFFFFC00, v14;
	v37 =	vld.idx.msk [tilespmem:v9+s20+$0x60 ss:$0x1], $0xffff  }
0x119: {  	v14 =	vshll.u32 v33, $0x7;
	v15 =	vand.u32 $0x7F, v22;
	v22 =	vadd.s32 v36, v12;
	v23 =	vld.idx.msk [tilespmem:v23+s15+$0x0], $0xffff  }
0x11a: {  	v12 =	vand.u32 $0x380, v14;
	v14 =	vmov s20;
	v15 =	vor.u32 v15, v22;
	v22 =	vld.idx.msk [tilespmem:v24+s15+$0x0], $0xffff  }
0x11b: {  	v14 =	vshrl.u32 v14, $0x7;
	v24 =	vshll.u32 v25, $0x3;
	v33 =	vor.u32 v12, v15;
	v20 =	vld.idx.msk [tilespmem:v20+s15+$0x0], $0xffff  }
0x11c: {  	v14 =	vshll.u32 v14, $0xA;
	v15 =	vshll.u32 v26, $0x3;
	v38 =	vshll.u32 v30, $0x3;
	v39 =	vld.idx.msk [tilespmem:v18+s15+$0x0], $0xffff  }
0x11d: {  	v14 =	vor.u32 v14, v36;
	v18 =	vshll.u32 v34, $0x3;
	v40 =	vshll.u32 v35, $0x3;
	v41 =	vld.idx.msk [tilespmem:v19+s15+$0x0], $0xffff  }
0x11e: {  	v19 =	vand.u32 $0xFFFFFC00, v13;
	v13 =	vor.u32 v12, v14;
	v42 =	vshll.u32 v37, $0x3;
	v14 =	vld.idx.msk [tilespmem:v17+s15+$0x0], $0xffff  }
0x11f: {  	v13 =	vbroadcast v13, $0x0;
	v17 =	vand.u32 $0xFFFFFC00, v24;
	v24 =	vand.u32 $0xFFFFFC00, v15;
	[tilespmem:v27+s16+$0x0] =	vst.idx.msk $0xffff, v23;
	v15 =	vld.idx.msk [tilespmem:v16+s15+$0x0], $0xffff  }
0x120: {  	v16 =	vand.u32 $0xFFFFFC00, v38;
	v23 =	vand.u32 $0xFFFFFC00, v18;
	v27 =	vand.u32 $0xFFFFFC00, v40;
	v33 =	vld.idx.msk [tilespmem:v33+s15+$0x0], $0xffff;
	[tilespmem:v28+s16+$0x0] =	vst.idx.msk $0xffff, v22  }
0x121: {  	v28 =	vadd.s32 v36, v19;
	v22 =	vand.u32 $0xFFFFFC00, v42;
	v38 =	vor.u32 v7, v13;
	[tilespmem:v29+s16+$0x0] =	vst.idx.msk $0xffff, v20  }
.Ltmp7:
0x122: {  	v18 =	vadd.s32 v36, v16;
	v29 =	vadd.s32 v36, v17;
	v20 =	vadd.s32 v36, v24;
	(pc) =	sbr.rel @p2 .LBB2_10-.Ltmp7, $4  }
0x123: {  	v19 =	vadd.s32 v36, v23;
	v17 =	vadd.s32 v36, v27;
	v16 =	vadd.s32 v36, v22  }
0x124: {  	v25 =	vand.u32 $0x7F, v25;
	v27 =	vand.u32 $0x7F, v21;
	v22 =	vand.u32 $0x7F, v26;
	[tilespmem:v31+s16+$0x0] =	vst.idx.msk $0xffff, v39  }
0x125: {  	v23 =	vand.u32 $0x7F, v34;
	v24 =	vand.u32 $0x7F, v30;
	v21 =	vand.u32 $0x7F, v35;
	[tilespmem:v32+s16+$0x0] =	vst.idx.msk $0xffff, v41  }
0x126: {  	s19 =	sadd.s32 $0x80, s19;
	v27 =	vor.u32 v27, v28;
	v26 =	vor.u32 v25, v29;
	v25 =	vand.u32 $0x7F, v37;
	[tilespmem:v38+s16+$0x0] =	vst.idx.msk $0xffff, v33  }
0x127: {  	v27 =	vor.u32 v12, v27  }
0x128: {  	v20 =	vor.u32 v22, v20;
	v54 =	vor.u32 v12, v26  }
0x129: {  	v18 =	vor.u32 v24, v18;
	v20 =	vor.u32 v12, v20  }
0x12a: {  	v19 =	vor.u32 v23, v19;
	v18 =	vor.u32 v12, v18  }
0x12b: {  	v17 =	vor.u32 v21, v17;
	v19 =	vor.u32 v12, v19  }
0x12c: {  	v16 =	vor.u32 v25, v16;
	v55 =	vor.u32 v0, v13;
	v17 =	vor.u32 v12, v17;
	v56 =	vld.idx.msk [tilespmem:v27+s15+$0x0], $0xffff  }
0x12d: {  	v58 =	vor.u32 v1, v13;
	v57 =	vor.u32 v12, v16;
	v22 =	vld.idx.msk [tilespmem:v54+s15+$0x0], $0xffff  }
0x12e: {  	v59 =	vor.u32 v2, v13;
	v20 =	vld.idx.msk [tilespmem:v20+s15+$0x0], $0xffff  }
0x12f: {  	v60 =	vor.u32 v3, v13;
	[tilespmem:v10+s16+$0x0] =	vst.idx.msk $0xffff, v14;
	v10 =	vld.idx.msk [tilespmem:v18+s15+$0x0], $0xffff  }
0x130: {  	v61 =	vor.u32 v4, v13;
	[tilespmem:v11+s16+$0x0] =	vst.idx.msk $0xffff, v15;
	v11 =	vld.idx.msk [tilespmem:v19+s15+$0x0], $0xffff  }
0x131: {  	v62 =	vor.u32 v5, v13;
	v17 =	vld.idx.msk [tilespmem:v17+s15+$0x0], $0xffff;
	[tilespmem:v55+s16+$0x0] =	vst.idx.msk $0xffff, v56  }
0x132: {  	v63 =	vor.u32 v6, v13;
	v12 =	vld.idx.msk [tilespmem:v57+s15+$0x0], $0xffff;
	[tilespmem:v58+s16+$0x0] =	vst.idx.msk $0xffff, v22  }
0x133: {  	[tilespmem:v59+s16+$0x0] =	vst.idx.msk $0xffff, v20  }
0x134: {  	[tilespmem:v60+s16+$0x0] =	vst.idx.msk $0xffff, v10  }
0x135: {  	[tilespmem:v61+s16+$0x0] =	vst.idx.msk $0xffff, v11  }
0x136: {  	[tilespmem:v62+s16+$0x0] =	vst.idx.msk $0xffff, v17  }
.Ltmp8:
0x137: {  	[tilespmem:v63+s16+$0x0] =	vst.idx.msk $0xffff, v12;
	(pc) =	sbr.rel .LBB2_12-.Ltmp8, $4  }
0x138: {  	[hbm4b:s11+s3] =	stream.linear.scatter [tilespmem:s16], [sflag:$0x1], $0x8000, $0x38;
	[tilespmem:$0x16000] =	vst v63  }
0x139: {  	_ =	swait.ge [sflag:s7], $0x8000  }
0x13a: {  	[sflag:s7] =	ssyncset.done $0x0  }
0x13b: {  	[sflag:s7] =	ssyncadd.s32 $0xFFFF8000  }
.LBB2_13:
0x13c: {  	_ =	sfence.sel $0x180000  }
0x13d: {  	[bflag:$0x0] =	sbarrier.arrive $0xFFFF  }
0x13e: {  	p0 =	sne.s32 s0, $0x0;
	_ =	strace $0x9000004A  }
0x13f: {  	s0 =	sadd.s32 @!p0 $0x100000, s2;
	[bflag:$0x2] =	sbarrier.arrive $0xFFFF  }
0x140: {  	[sflag:s0] =	ssyncadd.tile.s32 @!p0 $0x1;
	_ =	shalt  }
.Lfunc_end2:
_tile_overlayer_lowered:
.L_overlay_start_2:
0x141: {  	(tag) =	ssettag $0x2  }
0x142: {  	s0 =	rddreg [dreg:$0x0];
	s2 =	stileid.u32  }
0x143: {  	s1 =	rddreg [dreg:$0x1];
	p0 =	sne.s32 s2, $0x0  }
0x144: {  	s3 =	rddreg [dreg:$0x2];
	[bflag:$0x3] =	sbarrier.arrive $0xFFFF;
	s2 =	simm.s32 @!p0 $0x1C01  }
0x145: {  	[timem:s3], [sflag:s2] =	dma.local @!p0 [hbm:s0], s1  }
0x146: {  	s0 =	simm.s32 @!p0 $0x1  }
0x147: {  	_ =	swait.ge @!p0 [sflag:s0], s1  }
0x148: {  	s1 =	ssub.s32 @!p0 $0x0, s1;
	[sflag:s0] =	ssyncset.done @!p0 $0x0  }
0x149: {  	[sflag:s0] =	ssyncadd.s32 @!p0 s1  }
0x14a: {  	[bflag:$0x3] =	sbarrier.arrive $0xFFFF  }
0x14b: {  	_ =	shalt  }

// kernel: sparse-core-data-format-call.1.cloned.1.call-start
scs
called_computation.1_lowered:
.L_overlay_start_0:
0x0: {  	s2 =	sld [smem:$0x3FD9]  }
0x1: {  	s3 =	sld [smem:$0x3FFE];
	_ =	sdelay $0x1  }
0x2: {  	s1 =	srdreg.scid  }
0x3: {  	s0 =	sand.u32 $0x1, s1  }
0x4: {  	s18 =	sshll.u32 s0, $0xA;
	s2 =	sadd.s32 s3, s2  }
0x5: {  	s2 =	sadd.s32 s2, s18  }
0x6: {  	[smem:$0x3FC5] =	sst s2  }
0x7: {  	_ = 	snop  }
0x8: {  	s2 =	sld [smem:$0x3FC7];
	(tm) =	ssettm $0x1  }
0x9: {  	s19 =	sld [smem:$0x3FFB];
	_ =	sdelay $0x3  }
0xa: {  	_ =	strace s19  }
0xb: {  	s3 =	sld [smem:$0x3FFC];
	_ =	sdelay $0x3  }
0xc: {  	_ =	strace s3  }
0xd: {  	s3 =	sld [smem:$0x3FFD];
	_ =	sdelay $0x3  }
0xe: {  	_ =	strace s3  }
0xf: {  	_ =	strace $0x8FFFFFFF  }
0x10: {  	s20 =	sld [smem:$0x3FDB];
	_ =	sdelay $0x1  }
0x11: {  	s4 =	simm.s32 $_scs_section_size  }
0x12: {  	s5 =	simm.s32 $_size__tile_overlayer_lowered;
	s6 =	simm.s32 $_tile_overlayer_lowered  }
0x13: {  	s23 =	simm.s32 $0x1BFF;
	s22 =	sshll.u32 s6, $0x1;
	s3 =	sadd.s32 s4, s20  }
0x14: {  	s7 =	simm.s32 $0x0;
	s21 =	sshll.u32 s5, $0x1;
	s5 =	sadd.s32 s22, s3  }
0x15: {  	[timem:s7], [sflag:s23] =	dma.local [hbm:s5], s21  }
0x16: {  	_ =	swait.ge [sflag:s23], s21  }
0x17: {  	s4 =	ssub.s32 $0x0, s21;
	[sflag:s23] =	ssyncset.done $0x0  }
0x18: {  	[sflag:s23] =	ssyncadd.s32 s4;
	_ =	sdelay $0x1  }
0x19: {  	s24 =	simm.s32 $0x1B8B  }
0x1a: {  	_ =	swait.ge [sflag:s24], $0x1  }
0x1b: {  	[sflag:s24] =	ssyncset.done $0x0  }
0x1c: {  	s26 =	simm.s32 $0x1B8E;
	s25 =	sld [smem:$0x3FFE];
	[sflag:s24] =	ssyncadd.s32 $0xFFFFFFFF  }
0x1d: {  	s27 =	simm.s32 $execute0_lowered;
	[smem:$0x3FD2] =	sst s26  }
0x1e: {  	s5 =	sshll.u32 s27, $0x1;
	_ =	strace $0x80000046;
	[dreg:$0x1] =	wrdreg $0xFFFFFFFF  }
0x1f: {  	s28 =	simm.s32 $_size_execute0_lowered;
	s3 =	sadd.s32 s3, s5;
	[dreg:$0x0] =	wrdreg $0x0  }
0x20: {  	s5 =	sshll.u32 s28, $0x1;
	[dreg:$0x2] =	wrdreg s3  }
0x21: {  	[dreg:$0x3] =	wrdreg s5  }
0x22: {  	[dreg:$0x4] =	wrdreg $0xC0  }
0x23: {  	_ =	task [dreg:s7], $0x5FFFF  }
0x24: {  	[dreg:$0x1] =	wrdreg $0xFFFFFFFF  }
0x25: {  	[dreg:$0x0] =	wrdreg $0x60  }
0x26: {  	[dreg:$0x2] =	wrdreg s2  }
0x27: {  	[dreg:$0x3] =	wrdreg s25  }
0x28: {  	[dreg:$0x4] =	wrdreg $0x9  }
0x29: {  	_ =	task.clear_ibuf [dreg:s7], $0x5FFFF;
	_ =	strace $0x90000046  }
0x2a: {  	s29 =	simm.s32 $0x9;
	_ =	strace $0x80000048  }
0x2b: {  	_ =	swait.ge [sflag:s29], $0x1  }
0x2c: {  	[sflag:s29] =	ssyncadd.s32 $0xFFFFFFFF  }
0x2d: {  	_ =	strace $0x90000048  }
0x2e: {  	_ =	sfence  }
0x2f: {  	s30 =	sld [smem:$0x0];
	_ =	sdelay $0x2  }
0x30: {  	s31 =	sshll.u32 s1, $0xD;
	s1 =	sshrl.u32 s1, $0x2  }
0x31: {  	s3 =	sand.u32 $0x4000, s31;
	s1 =	sadd.s32 s1, s30  }
0x32: {  	s0 =	sor.u32 s3, s0;
	s1 =	sshll.u32 s1, $0x11  }
0x33: {  	s0 =	sor.u32 s1, s0  }
0x34: {  	s0 =	sadd.s32 $0x8F2B, s0  }
0x35: {  	[sflag:s0] =	ssyncadd.remote.s32 $0x1  }
0x36: {  	_ =	sfence.sel $0xFFFF  }
0x37: {  	[dreg:$0x0] =	wrdreg $0xFFFFFFFF;
	(pc) =	sbr.abs _section_cstart, $3  }
0x38: {  	[dreg:$0x1] =	wrdreg $0xFFFFFFFF  }
0x39: {  	_ =	task.clear_ibuf [dreg:s7], $0x2FFFF;
	_ =	strace $0x9FFFFFFF  }
0x3a: {  	(tm) =	ssettm $0x7FFFFFFF  }
0x3b: {  	_ =	shalt  }
tec
execute0_lowered:
.L_overlay_start_1:
0x0: {  	(tag) =	ssettag $0x1  }
0x1: {  	s0 =	srdreg.scid;
	s2 =	rddreg [dreg:$0x0]  }
0x2: {  	s4 =	rddreg [dreg:$0x1];
	s7 =	simm.s32 $0x2;
	s15 =	simm.s32 $0x0  }
0x3: {  	p0 =	por $0x0, $0x0;
	s8 =	simm.s32 $0xA000;
	s0 =	sshll.u32 s0, $0x7  }
0x4: {  	s14 =	simm.s32 $0x0;
	s16 =	simm.s32 $0x0;
	s1 =	sand.u32 $0x80, s0  }
0x5: {  	s17 =	simm.s32 $0x0;
	s9 =	simm.s32 $0x0;
	s3 =	ssub.s32 $0x200, s1  }
0x6: {  	s11 =	simm.s32 $0x0;
	s12 =	stileid.u32;
	s5 =	sshrl.u32 s3, $0x7  }
.Ltmp0:
0x7: {  	s3 =	sshrl.u32 s3, $0x8;
	s5 =	sand.u32 $0x1, s5;
	(pc) =	sbr.rel .LBB1_1-.Ltmp0, $4  }
0x8: {  	s13 =	simm.s32 $0x0;
	s0 =	rddreg [dreg:$0x2];
	s3 =	sadd.s32 s3, s5  }
0x9: {  	_ =	strace $0x80000047;
	s5 =	simm.s32 $0x1;
	s6 =	smul.u32 $0xA, s3  }
0xa: {  	s4 =	sadd.s32 $0x1000, s4;
	s10 =	smov.u32 s1;
	[sflag:s5] =	ssyncpa.u1 $0x0  }
0xb: {  	s3 =	stileid.u32;
	[sflag:s7] =	ssyncpa.u1 $0x0;
	s7 =	sor.u32 $0x1, s6  }
.LBB1_4:
0xc: {  	v5 =	vld [tilespmem:s19+$0xFFFFFFD0];
	[tilespmem:s21+$0x2040 ss:$0x81] =	vst.msk $0xffff, v2  }
0xd: {  	v58 =	vld [tilespmem:s19+$0xFFFFFFE0];
	[tilespmem:s21+$0x2850 ss:$0x81] =	vst.msk $0xffff, v3  }
0xe: {  	s22 =	sshra.s32 s22, $0x2;
	v59 =	vld [tilespmem:s19+$0xFFFFFFF0];
	[tilespmem:s21+$0x3060 ss:$0x81] =	vst.msk $0xffff, v4  }
0xf: {  	v60 =	vld [tilespmem:s19+$0x0];
	[tilespmem:s21+$0x0 ss:$0x81] =	vst.msk $0xffff, v0;
	s20 =	sadd.s32 s22, s20  }
0x10: {  	s24 =	sshll.u32 s17, $0x9;
	s25 =	sshll.u32 s14, $0x3;
	v61 =	vld [tilespmem:s19+$0x10];
	s26 =	sshll.u32 s17, $0x7;
	[tilespmem:s20+$0x3870 ss:$0x81] =	vst.msk $0xffff, v1  }
0x11: {  	v62 =	vld [tilespmem:s19+$0x20];
	s28 =	sand.u32 $0x78, s14;
	s15 =	smul.u32 $0x1400, s15;
	s16 =	sshll.u32 s16, $0xA;
	[tilespmem:s20+$0x810 ss:$0x81] =	vst.msk $0xffff, v5  }
0x12: {  	v63 =	vld [tilespmem:s19+$0xFFFFFFC0];
	s30 =	sand.u32 $0x7, s14;
	s21 =	sand.u32 $0x1000, s24;
	s22 =	sand.u32 $0x1C00, s25;
	[tilespmem:s20+$0x1020 ss:$0x81] =	vst.msk $0xffff, v58  }
0x13: {  	s27 =	sand.u32 $0x200, s26;
	s17 =	sand.u32 $0x180, s26;
	s21 =	sadd.s32 s21, s22;
	[tilespmem:s20+$0x1830 ss:$0x81] =	vst.msk $0xffff, v59  }
0x14: {  	s16 =	sadd.s32 s4, s16;
	s17 =	sor.u32 s17, s28;
	s21 =	sor.u32 s27, s21;
	[tilespmem:s20+$0x2040 ss:$0x81] =	vst.msk $0xffff, v60  }
0x15: {  	s15 =	sadd.s32 s15, s16;
	s17 =	sshrl.u32 s17, $0x3;
	s29 =	sshrl.u32 s21, $0x3;
	[tilespmem:s20+$0x2850 ss:$0x81] =	vst.msk $0xffff, v61  }
0x16: {  	s14 =	sshll.u32 s30, $0x12;
	s15 =	sadd.s32 s17, s15;
	[tilespmem:s20+$0x3060 ss:$0x81] =	vst.msk $0xffff, v62;
	s31 =	sand.u32 $0x3C0, s29  }
0x17: {  	s14 =	sor.u32 $0x80, s14;
	[tilespmem:s20+$0x0 ss:$0x81] =	vst.msk $0xffff, v63;
	s15 =	sadd.s32 s31, s15  }
0x18: {  	[hbm4b:s15+s14] =	stream.strided.scatter [tilespmem:s18], [sflag:$0x2], $0x4000, s8, s14, $0x20;
	[tilespmem:$0x10100] =	vst v63  }
.LBB1_5:
0x19: {  	s18 =	sadd.s32 $0x80, s9  }
0x1a: {  	s14 =	sadd.s32 $0x100, s10;
	s19 =	smov.u32 s10;
	p2 =	sgt.s32 s18, $0xFF  }
0x1b: {  	s19 =	smov.u32 @p2 s14  }
0x1c: {  	s14 =	simm.s32 $0x1;
	p3 =	sgt.s32 s19, $0x1FF  }
0x1d: {  	s14 =	simm.s32 @!p3 $0x0  }
0x1e: {  	s20 =	sadd.s32 s14, s11  }
0x1f: {  	s21 =	smov.u32 s12;
	s14 =	sadd.s32 $0x10, s12;
	p4 =	sgt.s32 s20, $0x4  }
0x20: {  	p1 =	slt.u32 s13, $0x2;
	s21 =	smov.u32 @p4 s14  }
0x21: {  	s15 =	smov.u32 s9;
	s18 =	simm.s32 @p2 $0x0;
	p2 =	sgt.s32 s21, $0xF  }
0x22: {  	s22 =	simm.s32 @!p1 $0x2;
	s21 =	smov.u32 @p2 s3;
	p2 =	sne.s32 s13, s7  }
.Ltmp1:
0x23: {  	s16 =	smov.u32 s11;
	_ =	swait.ge @!p1 [sflag:s22], $0x4000;
	(pc) =	sbr.rel @!p2 .LBB1_6-.Ltmp1, $4  }
0x24: {  	s17 =	smov.u32 s12;
	p0 =	por !p0, !p0;
	[sflag:s22] =	ssyncset.done @!p1 $0x0  }
0x25: {  	s9 =	smov.u32 s18;
	s19 =	smov.u32 @p3 s1;
	[sflag:s22] =	ssyncadd.s32 @!p1 $0xFFFFC000  }
0x26: {  	s20 =	simm.s32 @p4 $0x0;
	s14 =	smov.u32 s10;
	s10 =	smov.u32 s19  }
0x27: {  	s11 =	smov.u32 s20;
	s13 =	sadd.s32 $0x1, s13;
	s12 =	smov.u32 s21  }
.LBB1_1:
0x28: {  	p1 =	sge.u32 s13, s6;
	s31 =	sadd.s32 $0xFFFFFFFF, s13  }
0x29: {  	s18 =	sxor.u32 @!p1 $0xFFFFFFFF, s13;
	s19 =	sshll.u32 @!p1 s10, $0x8;
	s20 =	sshll.u32 @!p1 s9, $0x3  }
0x2a: {  	s21 =	sand.u32 @!p1 $0x78, s9;
	s19 =	sand.u32 @!p1 $0x1F800, s19;
	s20 =	sand.u32 @!p1 $0x1FC00, s20  }
0x2b: {  	s23 =	smul.u32 @!p1 $0x14000, s12;
	s19 =	sadd.s32 @!p1 s19, s20;
	s20 =	sshll.u32 @!p1 s10, $0x7  }
0x2c: {  	s18 =	sshll.u32 @!p1 s18, $0xE;
	s22 =	sand.u32 @!p1 $0x300, s20;
	s20 =	sand.u32 @!p1 $0x80, s20  }
0x2d: {  	s18 =	sand.u32 @!p1 $0x4000, s18;
	s19 =	sor.u32 @!p1 s22, s19;
	s20 =	sor.u32 @!p1 s21, s20  }
0x2e: {  	s21 =	sshll.u32 @!p1 s11, $0xE;
	s22 =	sadd.s32 @!p1 s2, s23;
	s19 =	sshrl.u32 @!p1 s19, $0x3  }
0x2f: {  	s20 =	sshrl.u32 @!p1 s20, $0x3;
	s21 =	sadd.s32 @!p1 s21, s22;
	s22 =	sand.u32 @!p1 $0x7, s9  }
0x30: {  	s19 =	sand.u32 @!p1 $0x3FE0, s19;
	s20 =	sadd.s32 @!p1 s20, s21;
	s21 =	sshll.u32 @!p1 s22, $0x12  }
0x31: {  	s19 =	sadd.s32 @!p1 s19, s20;
	s20 =	sor.u32 @!p1 $0x400, s21;
	s21 =	simm.s32 @!p1 $0x800  }
0x32: {  	[tilespmem:s18], [sflag:$0x1] =	stream.strided.gather @!p1 [hbm4b:s19+s20], $0x4000, s21, s20, $0x38;
	[tilespmem:$0x10100] =	vst v63  }
0x33: {  	p1 =	sge.u32 s31, s6  }
.Ltmp2:
0x34: {  	_ = 	snop;
	(pc) =	sbr.rel @p1 .LBB1_5-.Ltmp2, $1  }
0x35: {  	_ =	sdelay $0x3  }
0x36: {  	s18 =	simm.s32 $0x1  }
0x37: {  	_ =	swait.ge [sflag:s5], $0x4000;
	s18 =	simm.s32 @!p0 $0x0  }
0x38: {  	[sflag:s5] =	ssyncset.done $0x0;
	s19 =	sshll.u32 s18, $0xE  }
0x39: {  	[sflag:s5] =	ssyncadd.s32 $0xFFFFC000;
	s19 =	sor.u32 $0x40, s19  }
0x3a: {  	s18 =	smul.u32 $0x10200, s18;
	v0 =	vld [tilespmem:s19+$0x30]  }
0x3b: {  	v1 =	vld [tilespmem:s19+$0xFFFFFFD0]  }
0x3c: {  	s18 =	sshrl.u32 s18, $0x2;
	v5 =	vld [tilespmem:s19+$0xFFFFFFE0]  }
0x3d: {  	v6 =	vld [tilespmem:s19+$0xFFFFFFF0];
	s20 =	sor.u32 $0x8000, s18  }
0x3e: {  	s31 =	sand.u32 $0x1, s13;
	v2 =	vld [tilespmem:s19+$0x0];
	s21 =	sadd.s32 $0x0, s20  }
0x3f: {  	v3 =	vld [tilespmem:s19+$0x10];
	s18 =	smul.u32 $0x10200, s31;
	[tilespmem:s21+$0x3870 ss:$0x81] =	vst.msk $0xffff, v0  }
0x40: {  	v4 =	vld [tilespmem:s19+$0x20];
	[tilespmem:s21+$0x810 ss:$0x81] =	vst.msk $0xffff, v1  }
0x41: {  	s18 =	sshrl.u32 s18, $0x2;
	v0 =	vld [tilespmem:s19+$0xFFFFFFC0];
	[tilespmem:s21+$0x1020 ss:$0x81] =	vst.msk $0xffff, v5;
	s19 =	sadd.s32 $0x80, s19  }
0x42: {  	s22 =	simm.s32 $0x4;
	s23 =	simm.s32 $0x8;
	s18 =	sor.u32 $0x8000, s18;
	[tilespmem:s21+$0x1830 ss:$0x81] =	vst.msk $0xffff, v6;
	v1 =	vld [tilespmem:s19+$0x30]  }
.LBB1_3:
0x43: {  	p1 =	sne.s32 s23, $0x1FC;
	v5 =	vld [tilespmem:s19+$0xFFFFFFD0];
	[tilespmem:s21+$0x2040 ss:$0x81] =	vst.msk $0xffff, v2  }
0x44: {  	v6 =	vld [tilespmem:s19+$0xFFFFFFE0];
	[tilespmem:s21+$0x2850 ss:$0x81] =	vst.msk $0xffff, v3  }
0x45: {  	s24 =	sshra.s32 s22, $0x2;
	s22 =	smov.u32 s23;
	v7 =	vld [tilespmem:s19+$0xFFFFFFF0];
	[tilespmem:s21+$0x3060 ss:$0x81] =	vst.msk $0xffff, v4  }
.Ltmp3:
0x46: {  	v2 =	vld [tilespmem:s19+$0x0];
	[tilespmem:s21+$0x0 ss:$0x81] =	vst.msk $0xffff, v0;
	s21 =	sadd.s32 s24, s20;
	(pc) =	sbr.rel @p1 .LBB1_3-.Ltmp3, $4  }
0x47: {  	v3 =	vld [tilespmem:s19+$0x10];
	[tilespmem:s21+$0x3870 ss:$0x81] =	vst.msk $0xffff, v1  }
0x48: {  	[tilespmem:s21+$0x810 ss:$0x81] =	vst.msk $0xffff, v5;
	v4 =	vld [tilespmem:s19+$0x20]  }
0x49: {  	v0 =	vld [tilespmem:s19+$0xFFFFFFC0];
	[tilespmem:s21+$0x1020 ss:$0x81] =	vst.msk $0xffff, v6;
	s19 =	sadd.s32 $0x80, s19  }
0x4a: {  	s23 =	sadd.s32 $0x4, s23;
	v1 =	vld [tilespmem:s19+$0x30];
	[tilespmem:s21+$0x1830 ss:$0x81] =	vst.msk $0xffff, v7  }
.Ltmp4:
0x4b: {  	_ = 	snop;
	(pc) =	sbr.rel .LBB1_4-.Ltmp4, $1  }
0x4c: {  	_ =	sdelay $0x3  }
.LBB1_6:
0x4d: {  	_ =	sfence.sel $0x180000  }
0x4e: {  	s1 =	simm.s32 $0x1;
	[bflag:$0x0] =	sbarrier.arrive $0xFFFF  }
0x4f: {  	s31 =	simm.s32 $0x2;
	[sflag:s1] =	ssyncpa.u1 $0x1  }
0x50: {  	[sflag:s31] =	ssyncpa.u1 $0x1  }
0x51: {  	p0 =	sne.s32 s3, $0x0;
	_ =	strace $0x90000047  }
0x52: {  	s0 =	sadd.s32 @!p0 $0x100000, s0;
	[bflag:$0x2] =	sbarrier.arrive $0xFFFF  }
0x53: {  	[sflag:s0] =	ssyncadd.tile.s32 @!p0 $0x1;
	_ =	shalt  }
.Lfunc_end1:
_tile_overlayer_lowered:
.L_overlay_start_2:
0x54: {  	(tag) =	ssettag $0x2  }
0x55: {  	s0 =	rddreg [dreg:$0x0];
	s2 =	stileid.u32  }
0x56: {  	s1 =	rddreg [dreg:$0x1];
	p0 =	sne.s32 s2, $0x0  }
0x57: {  	s3 =	rddreg [dreg:$0x2];
	[bflag:$0x3] =	sbarrier.arrive $0xFFFF;
	s2 =	simm.s32 @!p0 $0x1C01  }
0x58: {  	[timem:s3], [sflag:s2] =	dma.local @!p0 [hbm:s0], s1  }
0x59: {  	s0 =	simm.s32 @!p0 $0x1  }
0x5a: {  	_ =	swait.ge @!p0 [sflag:s0], s1  }
0x5b: {  	s1 =	ssub.s32 @!p0 $0x0, s1;
	[sflag:s0] =	ssyncset.done @!p0 $0x0  }
0x5c: {  	[sflag:s0] =	ssyncadd.s32 @!p0 s1  }
0x5d: {  	[bflag:$0x3] =	sbarrier.arrive $0xFFFF  }
0x5e: {  	_ =	shalt  }

// kernel: sparse-core-data-format-call.cloned.1.call-start
scs
called_computation_lowered:
.L_overlay_start_0:
0x0: {  	s2 =	sld [smem:$0x3FD9]  }
0x1: {  	s3 =	sld [smem:$0x3FFE];
	_ =	sdelay $0x1  }
0x2: {  	s1 =	srdreg.scid  }
0x3: {  	s0 =	sand.u32 $0x1, s1  }
0x4: {  	s15 =	sshll.u32 s0, $0xA;
	s2 =	sadd.s32 s3, s2  }
0x5: {  	s2 =	sadd.s32 s2, s15  }
0x6: {  	[smem:$0x3FC5] =	sst s2  }
0x7: {  	_ = 	snop  }
0x8: {  	s2 =	sld [smem:$0x3FD0];
	_ =	sdelay $0x2  }
0x9: {  	s16 =	simm.s32 $0xA;
	s4 =	simm.s32 $0x10  }
0xa: {  	[smem:s4], [sflag:s16] =	dma.local [hbm:s2], $0x1  }
0xb: {  	_ =	swait.eq [sflag:s16], $0x1  }
0xc: {  	[sflag:s16] =	ssyncset.done $0x0  }
0xd: {  	[sflag:s16] =	ssyncadd.s32 $0xFFFFFFFF  }
0xe: {  	s17 =	sld [smem:$0x12];
	(tm) =	ssettm $0x1  }
0xf: {  	s18 =	sld [smem:$0x3FFB];
	_ =	sdelay $0x3  }
0x10: {  	_ =	strace s18  }
0x11: {  	s3 =	sld [smem:$0x3FFC];
	_ =	sdelay $0x3  }
0x12: {  	_ =	strace s3  }
0x13: {  	s3 =	sld [smem:$0x3FFD];
	_ =	sdelay $0x3  }
0x14: {  	_ =	strace s3  }
0x15: {  	_ =	strace $0x8FFFFFFF  }
0x16: {  	s19 =	sld [smem:$0x3FDB];
	_ =	sdelay $0x1  }
0x17: {  	s20 =	simm.s32 $_scs_section_size  }
0x18: {  	s5 =	simm.s32 $_size__tile_overlayer_lowered;
	s6 =	simm.s32 $_tile_overlayer_lowered  }
0x19: {  	s23 =	simm.s32 $0x1BFF;
	s22 =	sshll.u32 s6, $0x1;
	s3 =	sadd.s32 s20, s19  }
0x1a: {  	s7 =	simm.s32 $0x0;
	s21 =	sshll.u32 s5, $0x1;
	s5 =	sadd.s32 s22, s3  }
0x1b: {  	[timem:s7], [sflag:s23] =	dma.local [hbm:s5], s21  }
0x1c: {  	_ =	swait.ge [sflag:s23], s21  }
0x1d: {  	s4 =	ssub.s32 $0x0, s21;
	[sflag:s23] =	ssyncset.done $0x0  }
0x1e: {  	[sflag:s23] =	ssyncadd.s32 s4;
	_ =	sdelay $0x1  }
0x1f: {  	s24 =	simm.s32 $0x1B8B  }
0x20: {  	_ =	swait.ge [sflag:s24], $0x1  }
0x21: {  	[sflag:s24] =	ssyncset.done $0x0  }
0x22: {  	s26 =	simm.s32 $0x1B8E;
	s25 =	sld [smem:$0x3FFE];
	[sflag:s24] =	ssyncadd.s32 $0xFFFFFFFF  }
0x23: {  	s27 =	simm.s32 $execute0_lowered;
	[smem:$0x3FD2] =	sst s26  }
0x24: {  	s5 =	sshll.u32 s27, $0x1;
	_ =	strace $0x8000004C;
	[dreg:$0x1] =	wrdreg $0xFFFFFFFF  }
0x25: {  	s28 =	simm.s32 $_size_execute0_lowered;
	s3 =	sadd.s32 s3, s5;
	[dreg:$0x0] =	wrdreg $0x0  }
0x26: {  	s5 =	sshll.u32 s28, $0x1;
	[dreg:$0x2] =	wrdreg s3  }
0x27: {  	[dreg:$0x3] =	wrdreg s5  }
0x28: {  	[dreg:$0x4] =	wrdreg $0xC0  }
0x29: {  	_ =	task [dreg:s7], $0x5FFFF  }
0x2a: {  	[dreg:$0x1] =	wrdreg $0xFFFFFFFF  }
0x2b: {  	[dreg:$0x0] =	wrdreg $0x60  }
0x2c: {  	[dreg:$0x2] =	wrdreg s25  }
0x2d: {  	[dreg:$0x3] =	wrdreg s17  }
0x2e: {  	[dreg:$0x4] =	wrdreg $0x9  }
0x2f: {  	_ =	task.clear_ibuf [dreg:s7], $0x5FFFF;
	_ =	strace $0x9000004C  }
0x30: {  	s29 =	simm.s32 $0x9;
	_ =	strace $0x8000004E  }
0x31: {  	_ =	swait.ge [sflag:s29], $0x1  }
0x32: {  	[sflag:s29] =	ssyncadd.s32 $0xFFFFFFFF  }
0x33: {  	_ =	strace $0x9000004E  }
0x34: {  	_ =	sfence  }
0x35: {  	s30 =	sld [smem:$0x0];
	_ =	sdelay $0x2  }
0x36: {  	s31 =	sshll.u32 s1, $0xD;
	s1 =	sshrl.u32 s1, $0x2  }
0x37: {  	s3 =	sand.u32 $0x4000, s31;
	s1 =	sadd.s32 s1, s30  }
0x38: {  	s0 =	sor.u32 s3, s0;
	s1 =	sshll.u32 s1, $0x11  }
0x39: {  	s0 =	sor.u32 s1, s0  }
0x3a: {  	s0 =	sadd.s32 $0x8F2B, s0  }
0x3b: {  	[sflag:s0] =	ssyncadd.remote.s32 $0x1  }
0x3c: {  	_ =	sfence.sel $0xFFFF  }
0x3d: {  	[dreg:$0x0] =	wrdreg $0xFFFFFFFF;
	(pc) =	sbr.abs _section_cstart, $3  }
0x3e: {  	[dreg:$0x1] =	wrdreg $0xFFFFFFFF  }
0x3f: {  	_ =	task.clear_ibuf [dreg:s7], $0x2FFFF;
	_ =	strace $0x9FFFFFFF  }
0x40: {  	(tm) =	ssettm $0x7FFFFFFF  }
0x41: {  	_ =	shalt  }
tec
execute0_lowered:
.L_overlay_start_1:
0x0: {  	(tag) =	ssettag $0x1  }
0x1: {  	s4 =	rddreg [dreg:$0x0]  }
0x2: {  	s0 =	stileid.u32;
	s2 =	rddreg [dreg:$0x1]  }
0x3: {  	s7 =	srdreg.scid;
	s8 =	simm.s32 $0x2;
	s18 =	simm.s32 $0x0  }
0x4: {  	p0 =	por $0x0, $0x0;
	s9 =	simm.s32 $0x800;
	s16 =	simm.s32 $0x0  }
0x5: {  	s17 =	simm.s32 $0x0;
	s15 =	simm.s32 $0x0;
	s1 =	sshll.u32 s0, $0x7  }
0x6: {  	s10 =	simm.s32 $0x0;
	s12 =	simm.s32 $0x0;
	s3 =	sand.u32 $0x80, s1  }
0x7: {  	s14 =	simm.s32 $0x0;
	s4 =	sadd.s32 $0x141000, s4;
	s5 =	ssub.s32 $0x100, s3  }
0x8: {  	s7 =	sshll.u32 s7, $0x4;
	s1 =	rddreg [dreg:$0x2];
	s6 =	sshrl.u32 s5, $0x7  }
.Ltmp0:
0x9: {  	s5 =	sshrl.u32 s5, $0x8;
	s6 =	sand.u32 $0x1, s6;
	(pc) =	sbr.rel .LBB1_1-.Ltmp0, $4  }
0xa: {  	_ =	strace $0x8000004D;
	s7 =	sand.u32 $0x10, s7;
	s6 =	sadd.s32 s5, s6  }
0xb: {  	s7 =	sor.u32 s0, s7;
	s5 =	simm.s32 $0x1;
	s6 =	smul.u32 $0x14, s6  }
0xc: {  	s13 =	smov.u32 s3;
	s7 =	sshrl.u32 s7, $0x1;
	[sflag:s5] =	ssyncpa.u1 $0x0  }
0xd: {  	s11 =	smov.u32 s7;
	[sflag:s8] =	ssyncpa.u1 $0x0;
	s8 =	sor.u32 $0x1, s6  }
.LBB1_4:
0xe: {  	v5 =	vld [tilespmem:s20+$0xFFFFFFD0];
	[tilespmem:s22+$0x2040 ss:$0x81] =	vst.msk $0xffff, v2  }
0xf: {  	v58 =	vld [tilespmem:s20+$0xFFFFFFE0];
	[tilespmem:s22+$0x2850 ss:$0x81] =	vst.msk $0xffff, v3  }
0x10: {  	s23 =	sshra.s32 s23, $0x2;
	v59 =	vld [tilespmem:s20+$0xFFFFFFF0];
	[tilespmem:s22+$0x3060 ss:$0x81] =	vst.msk $0xffff, v4  }
0x11: {  	v60 =	vld [tilespmem:s20+$0x0];
	[tilespmem:s22+$0x0 ss:$0x81] =	vst.msk $0xffff, v0;
	s21 =	sadd.s32 s23, s21  }
0x12: {  	s24 =	sshll.u32 s18, $0x8;
	s25 =	sshll.u32 s15, $0x3;
	v61 =	vld [tilespmem:s20+$0x10];
	s26 =	sshll.u32 s18, $0x7;
	[tilespmem:s21+$0x3870 ss:$0x81] =	vst.msk $0xffff, v1  }
0x13: {  	v62 =	vld [tilespmem:s20+$0x20];
	s28 =	sand.u32 $0x78, s15;
	s16 =	smul.u32 $0x14000, s16;
	s17 =	sshll.u32 s17, $0xE;
	[tilespmem:s21+$0x810 ss:$0x81] =	vst.msk $0xffff, v5  }
0x14: {  	v63 =	vld [tilespmem:s20+$0xFFFFFFC0];
	s30 =	sand.u32 $0x7, s15;
	s22 =	sand.u32 $0x1F800, s24;
	s23 =	sand.u32 $0x1FC00, s25;
	[tilespmem:s21+$0x1020 ss:$0x81] =	vst.msk $0xffff, v58  }
0x15: {  	s27 =	sand.u32 $0x300, s26;
	s18 =	sand.u32 $0x80, s26;
	s22 =	sadd.s32 s23, s22;
	[tilespmem:s21+$0x1830 ss:$0x81] =	vst.msk $0xffff, v59  }
0x16: {  	s17 =	sadd.s32 s2, s17;
	s18 =	sor.u32 s28, s18;
	s22 =	sor.u32 s27, s22;
	[tilespmem:s21+$0x2040 ss:$0x81] =	vst.msk $0xffff, v60  }
0x17: {  	s16 =	sadd.s32 s16, s17;
	s18 =	sshrl.u32 s18, $0x3;
	s29 =	sshrl.u32 s22, $0x3;
	[tilespmem:s21+$0x2850 ss:$0x81] =	vst.msk $0xffff, v61  }
0x18: {  	s15 =	sshll.u32 s30, $0x12;
	s16 =	sadd.s32 s18, s16;
	[tilespmem:s21+$0x3060 ss:$0x81] =	vst.msk $0xffff, v62;
	s31 =	sand.u32 $0x3FE0, s29  }
0x19: {  	s15 =	sor.u32 $0x400, s15;
	[tilespmem:s21+$0x0 ss:$0x81] =	vst.msk $0xffff, v63;
	s16 =	sadd.s32 s31, s16  }
0x1a: {  	[hbm4b:s16+s15] =	stream.strided.scatter [tilespmem:s19], [sflag:$0x2], $0x4000, s9, s15, $0x20;
	[tilespmem:$0x10100] =	vst v63  }
.LBB1_5:
0x1b: {  	s19 =	sadd.s32 $0x80, s10  }
0x1c: {  	s15 =	sadd.s32 $0x10, s11;
	s20 =	smov.u32 s11;
	p2 =	sgt.s32 s19, $0x1FF  }
0x1d: {  	s20 =	smov.u32 @p2 s15  }
0x1e: {  	s15 =	simm.s32 $0x1;
	p3 =	sgt.s32 s20, $0xF  }
0x1f: {  	s15 =	simm.s32 @!p3 $0x0  }
0x20: {  	s21 =	sadd.s32 s15, s12  }
0x21: {  	s22 =	smov.u32 s13;
	s15 =	sadd.s32 $0x100, s13;
	p4 =	sgt.s32 s21, $0x4  }
0x22: {  	p1 =	slt.u32 s14, $0x2;
	s22 =	smov.u32 @p4 s15  }
0x23: {  	s18 =	smov.u32 s10;
	s19 =	simm.s32 @p2 $0x0;
	p2 =	sgt.s32 s22, $0xFF  }
0x24: {  	s23 =	simm.s32 @!p1 $0x2;
	s22 =	smov.u32 @p2 s3;
	p2 =	sne.s32 s14, s8  }
.Ltmp1:
0x25: {  	s16 =	smov.u32 s11;
	_ =	swait.ge @!p1 [sflag:s23], $0x4000;
	(pc) =	sbr.rel @!p2 .LBB1_6-.Ltmp1, $4  }
0x26: {  	s17 =	smov.u32 s12;
	p0 =	por !p0, !p0;
	[sflag:s23] =	ssyncset.done @!p1 $0x0  }
0x27: {  	s10 =	smov.u32 s19;
	s20 =	smov.u32 @p3 s7;
	[sflag:s23] =	ssyncadd.s32 @!p1 $0xFFFFC000  }
0x28: {  	s11 =	smov.u32 s20;
	s21 =	simm.s32 @p4 $0x0;
	s15 =	smov.u32 s13  }
0x29: {  	s12 =	smov.u32 s21;
	s14 =	sadd.s32 $0x1, s14;
	s13 =	smov.u32 s22  }
.LBB1_1:
0x2a: {  	p1 =	sge.u32 s14, s6;
	s31 =	sadd.s32 $0xFFFFFFFF, s14  }
0x2b: {  	s19 =	sxor.u32 @!p1 $0xFFFFFFFF, s14;
	s20 =	sshll.u32 @!p1 s11, $0x9;
	s21 =	sshll.u32 @!p1 s10, $0x3  }
0x2c: {  	s22 =	sand.u32 @!p1 $0x78, s10;
	s20 =	sand.u32 @!p1 $0x1000, s20;
	s21 =	sand.u32 @!p1 $0x1C00, s21  }
0x2d: {  	s24 =	smul.u32 @!p1 $0x1400, s13;
	s20 =	sadd.s32 @!p1 s20, s21;
	s21 =	sshll.u32 @!p1 s11, $0x7  }
0x2e: {  	s19 =	sshll.u32 @!p1 s19, $0xE;
	s23 =	sand.u32 @!p1 $0x200, s21;
	s21 =	sand.u32 @!p1 $0x180, s21  }
0x2f: {  	s19 =	sand.u32 @!p1 $0x4000, s19;
	s20 =	sor.u32 @!p1 s23, s20;
	s21 =	sor.u32 @!p1 s22, s21  }
0x30: {  	s22 =	sshll.u32 @!p1 s12, $0xA;
	s23 =	sadd.s32 @!p1 s4, s24;
	s20 =	sshrl.u32 @!p1 s20, $0x3  }
0x31: {  	s21 =	sshrl.u32 @!p1 s21, $0x3;
	s22 =	sadd.s32 @!p1 s22, s23;
	s23 =	sand.u32 @!p1 $0x7, s10  }
0x32: {  	s20 =	sand.u32 @!p1 $0x3C0, s20;
	s21 =	sadd.s32 @!p1 s21, s22;
	s22 =	sshll.u32 @!p1 s23, $0x12  }
0x33: {  	s20 =	sadd.s32 @!p1 s20, s21;
	s21 =	sor.u32 @!p1 $0x80, s22;
	s22 =	simm.s32 @!p1 $0xA000  }
0x34: {  	[tilespmem:s19], [sflag:$0x1] =	stream.strided.gather @!p1 [hbm4b:s20+s21], $0x4000, s22, s21, $0x38;
	[tilespmem:$0x10100] =	vst v63  }
0x35: {  	p1 =	sge.u32 s31, s6  }
.Ltmp2:
0x36: {  	_ = 	snop;
	(pc) =	sbr.rel @p1 .LBB1_5-.Ltmp2, $1  }
0x37: {  	_ =	sdelay $0x3  }
0x38: {  	s19 =	simm.s32 $0x1  }
0x39: {  	_ =	swait.ge [sflag:s5], $0x4000;
	s19 =	simm.s32 @!p0 $0x0  }
0x3a: {  	[sflag:s5] =	ssyncset.done $0x0;
	s20 =	sshll.u32 s19, $0xE  }
0x3b: {  	[sflag:s5] =	ssyncadd.s32 $0xFFFFC000;
	s20 =	sor.u32 $0x40, s20  }
0x3c: {  	s19 =	smul.u32 $0x10200, s19;
	v0 =	vld [tilespmem:s20+$0x30]  }
0x3d: {  	v1 =	vld [tilespmem:s20+$0xFFFFFFD0]  }
0x3e: {  	s19 =	sshrl.u32 s19, $0x2;
	v5 =	vld [tilespmem:s20+$0xFFFFFFE0]  }
0x3f: {  	v6 =	vld [tilespmem:s20+$0xFFFFFFF0];
	s21 =	sor.u32 $0x8000, s19  }
0x40: {  	s31 =	sand.u32 $0x1, s14;
	v2 =	vld [tilespmem:s20+$0x0];
	s22 =	sadd.s32 $0x0, s21  }
0x41: {  	v3 =	vld [tilespmem:s20+$0x10];
	s19 =	smul.u32 $0x10200, s31;
	[tilespmem:s22+$0x3870 ss:$0x81] =	vst.msk $0xffff, v0  }
0x42: {  	v4 =	vld [tilespmem:s20+$0x20];
	[tilespmem:s22+$0x810 ss:$0x81] =	vst.msk $0xffff, v1  }
0x43: {  	s19 =	sshrl.u32 s19, $0x2;
	v0 =	vld [tilespmem:s20+$0xFFFFFFC0];
	[tilespmem:s22+$0x1020 ss:$0x81] =	vst.msk $0xffff, v5;
	s20 =	sadd.s32 $0x80, s20  }
0x44: {  	s23 =	simm.s32 $0x4;
	s24 =	simm.s32 $0x8;
	s19 =	sor.u32 $0x8000, s19;
	[tilespmem:s22+$0x1830 ss:$0x81] =	vst.msk $0xffff, v6;
	v1 =	vld [tilespmem:s20+$0x30]  }
.LBB1_3:
0x45: {  	p1 =	sne.s32 s24, $0x1FC;
	v5 =	vld [tilespmem:s20+$0xFFFFFFD0];
	[tilespmem:s22+$0x2040 ss:$0x81] =	vst.msk $0xffff, v2  }
0x46: {  	v6 =	vld [tilespmem:s20+$0xFFFFFFE0];
	[tilespmem:s22+$0x2850 ss:$0x81] =	vst.msk $0xffff, v3  }
0x47: {  	s25 =	sshra.s32 s23, $0x2;
	s23 =	smov.u32 s24;
	v7 =	vld [tilespmem:s20+$0xFFFFFFF0];
	[tilespmem:s22+$0x3060 ss:$0x81] =	vst.msk $0xffff, v4  }
.Ltmp3:
0x48: {  	v2 =	vld [tilespmem:s20+$0x0];
	[tilespmem:s22+$0x0 ss:$0x81] =	vst.msk $0xffff, v0;
	s22 =	sadd.s32 s25, s21;
	(pc) =	sbr.rel @p1 .LBB1_3-.Ltmp3, $4  }
0x49: {  	v3 =	vld [tilespmem:s20+$0x10];
	[tilespmem:s22+$0x3870 ss:$0x81] =	vst.msk $0xffff, v1  }
0x4a: {  	[tilespmem:s22+$0x810 ss:$0x81] =	vst.msk $0xffff, v5;
	v4 =	vld [tilespmem:s20+$0x20]  }
0x4b: {  	v0 =	vld [tilespmem:s20+$0xFFFFFFC0];
	[tilespmem:s22+$0x1020 ss:$0x81] =	vst.msk $0xffff, v6;
	s20 =	sadd.s32 $0x80, s20  }
0x4c: {  	s24 =	sadd.s32 $0x4, s24;
	v1 =	vld [tilespmem:s20+$0x30];
	[tilespmem:s22+$0x1830 ss:$0x81] =	vst.msk $0xffff, v7  }
.Ltmp4:
0x4d: {  	_ = 	snop;
	(pc) =	sbr.rel .LBB1_4-.Ltmp4, $1  }
0x4e: {  	_ =	sdelay $0x3  }
.LBB1_6:
0x4f: {  	_ =	sfence.sel $0x180000  }
0x50: {  	s2 =	simm.s32 $0x1;
	[bflag:$0x0] =	sbarrier.arrive $0xFFFF  }
0x51: {  	s31 =	simm.s32 $0x2;
	[sflag:s2] =	ssyncpa.u1 $0x1  }
0x52: {  	[sflag:s31] =	ssyncpa.u1 $0x1  }
0x53: {  	p0 =	sne.s32 s0, $0x0;
	_ =	strace $0x9000004D  }
0x54: {  	s0 =	sadd.s32 @!p0 $0x100000, s1;
	[bflag:$0x2] =	sbarrier.arrive $0xFFFF  }
0x55: {  	[sflag:s0] =	ssyncadd.tile.s32 @!p0 $0x1;
	_ =	shalt  }
.Lfunc_end1:
_tile_overlayer_lowered:
.L_overlay_start_2:
0x56: {  	(tag) =	ssettag $0x2  }
0x57: {  	s0 =	rddreg [dreg:$0x0];
	s2 =	stileid.u32  }
0x58: {  	s1 =	rddreg [dreg:$0x1];
	p0 =	sne.s32 s2, $0x0  }
0x59: {  	s3 =	rddreg [dreg:$0x2];
	[bflag:$0x3] =	sbarrier.arrive $0xFFFF;
	s2 =	simm.s32 @!p0 $0x1C01  }
0x5a: {  	[timem:s3], [sflag:s2] =	dma.local @!p0 [hbm:s0], s1  }
0x5b: {  	s0 =	simm.s32 @!p0 $0x1  }
0x5c: {  	_ =	swait.ge @!p0 [sflag:s0], s1  }
0x5d: {  	s1 =	ssub.s32 @!p0 $0x0, s1;
	[sflag:s0] =	ssyncset.done @!p0 $0x0  }
0x5e: {  	[sflag:s0] =	ssyncadd.s32 @!p0 s1  }
0x5f: {  	[bflag:$0x3] =	sbarrier.arrive $0xFFFF  }
0x60: {  	_ =	shalt  }

</sc_bundles>
